<compile_context>
chip_gen: v7x
topology: tpu7x:2x2x1
jax: 0.10.2.dev20260603
libtpu: 0.0.44.dev20260713+nightly
codegen_flags: <defaults>
</compile_context>

<pallas_src>
import functools

import jax
import jax.numpy as jnp
from jax import lax
from jax.experimental import pallas as pl
from jax.experimental.pallas import tpu as pltpu
from jax.experimental.pallas import tpu_sc as plsc

N = 10000
E = 320000
D = 128
R = 8

NC = 2
NS = 16
NW = NC * NS
EPT = E // NW
CH = 80
NCHUNK = EPT // CH
RPT = 632
N_PAD = NS * RPT

BN = 1000
GRID = N // BN



def _proj_body(x_ref, w_ref, out_ref):
    x = x_ref[...]
    for r in range(R):
        out_ref[r] = jnp.dot(x, w_ref[r], preferred_element_type=jnp.float32)


def _project(node_feats, W):
    return pl.pallas_call(
        _proj_body,
        grid=(GRID,),
        in_specs=[
            pl.BlockSpec((BN, D), lambda i: (i, 0)),
            pl.BlockSpec((R, D, D), lambda i: (0, 0, 0)),
        ],
        out_specs=pl.BlockSpec((R, BN, D), lambda i: (0, i, 0)),
        out_shape=jax.ShapeDtypeStruct((R, N, D), jnp.float32),
    )(node_feats, W)



def _sc_body(proj_hbm, src_hbm, et_hbm, dst_hbm, zeros_hbm, out_hbm,
             src_v, et_v, dst_v, gidx_v, rows_v, acc_sh, sem, isem):
    cid = lax.axis_index("c")
    sid = lax.axis_index("s")
    wid = sid * NC + cid
    base = wid * EPT
    pltpu.sync_copy(zeros_hbm, acc_sh.at[pl.ds(sid * RPT, RPT)])
    plsc.subcore_barrier()

    def i_start(j, b):
        off = base + j * CH
        pltpu.async_copy(src_hbm.at[pl.ds(off, CH)], src_v.at[b], isem)
        pltpu.async_copy(et_hbm.at[pl.ds(off, CH)], et_v.at[b], isem)
        pltpu.async_copy(dst_hbm.at[pl.ds(off, CH)], dst_v.at[b], isem)

    def i_wait(b):
        pltpu.make_async_copy(src_hbm.at[pl.ds(0, CH)], src_v.at[b],
                              isem).wait()
        pltpu.make_async_copy(et_hbm.at[pl.ds(0, CH)], et_v.at[b],
                              isem).wait()
        pltpu.make_async_copy(dst_hbm.at[pl.ds(0, CH)], dst_v.at[b],
                              isem).wait()

    def do_chunk(j, b):
        i_wait(b)

        @pl.when(j + 1 < NCHUNK)
        def _():
            i_start(j + 1, 1 - b)

        for i in range(CH // 16):
            s = pl.ds(i * 16, 16)
            gidx_v[s] = et_v[b, s] * N + src_v[b, s]
        pltpu.async_copy(proj_hbm.at[gidx_v], rows_v, sem).wait()
        pltpu.sync_copy(rows_v, acc_sh.at[dst_v.at[b]], add=True)

    i_start(0, 0)

    def outer(jo, carry):
        do_chunk(2 * jo, 0)
        do_chunk(2 * jo + 1, 1)
        return carry

    lax.fori_loop(0, NCHUNK // 2, outer, 0)
    do_chunk(NCHUNK - 1, 0)
    plsc.subcore_barrier()
    pltpu.sync_copy(acc_sh.at[pl.ds(sid * RPT, RPT)],
                    out_hbm.at[cid, pl.ds(sid * RPT, RPT)])


def _scatter(proj_flat, src, et, dst, zeros):
    mesh = plsc.VectorSubcoreMesh(core_axis_name="c", subcore_axis_name="s")
    f = pl.kernel(
        _sc_body,
        out_type=jax.ShapeDtypeStruct((NC, N_PAD, D), jnp.float32),
        mesh=mesh,
        scratch_types=[
            pltpu.VMEM((2, CH), jnp.int32),
            pltpu.VMEM((2, CH), jnp.int32),
            pltpu.VMEM((2, CH), jnp.int32),
            pltpu.VMEM((CH,), jnp.int32),
            pltpu.VMEM((CH, D), jnp.float32),
            pltpu.VMEM_SHARED((N_PAD, D), jnp.float32),
            pltpu.SemaphoreType.DMA,
            pltpu.SemaphoreType.DMA,
        ],
    )
    return f(proj_flat, src, et, dst, zeros)



def _fuse_body(part_ref, x_ref, wself_ref, wres_ref, bias_ref, bres_ref,
               new_ref, sums_ref, acc_ref):
    i = pl.program_id(0)
    x = x_ref[...]
    agg = part_ref[0] + part_ref[1]
    selfp = jnp.dot(x, wself_ref[...], preferred_element_type=jnp.float32)
    resp = jnp.dot(x, wres_ref[...], preferred_element_type=jnp.float32)
    h = jnp.maximum(agg + selfp + bias_ref[...], 0.0)
    res = jnp.maximum(resp + bres_ref[...], 0.0)
    new = h + res
    new_ref[...] = new

    @pl.when(i == 0)
    def _():
        acc_ref[...] = jnp.zeros_like(acc_ref)

    acc_ref[0:1, :] += jnp.sum(new, axis=0, keepdims=True)
    acc_ref[1:2, :] += jnp.sum(new * new, axis=0, keepdims=True)

    @pl.when(i == GRID - 1)
    def _():
        sums_ref[...] = acc_ref[...]


def _fuse(part, node_feats, W_self, W_res, bias2, bres2):
    return pl.pallas_call(
        _fuse_body,
        grid=(GRID,),
        in_specs=[
            pl.BlockSpec((NC, BN, D), lambda i: (0, i, 0)),
            pl.BlockSpec((BN, D), lambda i: (i, 0)),
            pl.BlockSpec((D, D), lambda i: (0, 0)),
            pl.BlockSpec((D, D), lambda i: (0, 0)),
            pl.BlockSpec((1, D), lambda i: (0, 0)),
            pl.BlockSpec((1, D), lambda i: (0, 0)),
        ],
        out_specs=[
            pl.BlockSpec((BN, D), lambda i: (i, 0)),
            pl.BlockSpec((2, D), lambda i: (0, 0)),
        ],
        out_shape=[
            jax.ShapeDtypeStruct((N, D), jnp.float32),
            jax.ShapeDtypeStruct((2, D), jnp.float32),
        ],
        scratch_shapes=[pltpu.VMEM((2, D), jnp.float32)],
    )(part, node_feats, W_self, W_res, bias2, bres2)



def _bn_body(new_ref, sums_ref, gamma_ref, beta_ref, out_ref):
    mean = sums_ref[0:1, :] * (1.0 / N)
    var = sums_ref[1:2, :] * (1.0 / N) - mean * mean
    scale = gamma_ref[...] * lax.rsqrt(var + 1e-5)
    out_ref[...] = (new_ref[...] - mean) * scale + beta_ref[...]


def _bn(new, sums, gamma2, beta2):
    return pl.pallas_call(
        _bn_body,
        grid=(GRID,),
        in_specs=[
            pl.BlockSpec((BN, D), lambda i: (i, 0)),
            pl.BlockSpec((2, D), lambda i: (0, 0)),
            pl.BlockSpec((1, D), lambda i: (0, 0)),
            pl.BlockSpec((1, D), lambda i: (0, 0)),
        ],
        out_specs=pl.BlockSpec((BN, D), lambda i: (i, 0)),
        out_shape=jax.ShapeDtypeStruct((N, D), jnp.float32),
    )(new, sums, gamma2, beta2)



def kernel(node_feats, edge_index, etype, W, W_self, bias, W_res, b_res,
           gamma, beta):
    src = edge_index[0]
    dst = edge_index[1]
    proj = _project(node_feats, W).reshape(R * N, D)
    zeros = jnp.zeros((RPT, D), jnp.float32)
    part = _scatter(proj, src, etype, dst, zeros)
    new, sums = _fuse(part, node_feats, W_self, W_res,
                      bias.reshape(1, D), b_res.reshape(1, D))
    return _bn(new, sums, gamma.reshape(1, D), beta.reshape(1, D))

# --- scband reference (transcript-rebuilt; emitter-appended) ---
"""Pipeline reference for scband-gnnlayer-25615184954165 (READ-ONLY COPY).

The authoritative reference and input builder live on the scoring server;
editing this copy changes nothing except your own understanding.
"""

import jax, jax.numpy as jnp
import numpy as np

N_NODES = 10000
N_EDGES = 320000
D_IN = 128
D_OUT = 128
NUM_RELS = 8


def setup_inputs(seed: int = 0) -> dict:
    key = jax.random.key(seed)
    ks = jax.random.split(key, 10)
    node_feats = jax.random.normal(ks[0], (N_NODES, D_IN), dtype=jnp.float32)
    edge_index = jax.random.randint(ks[1], (2, N_EDGES), 0, N_NODES, dtype=jnp.int32)
    etype = jax.random.randint(ks[2], (N_EDGES,), 0, NUM_RELS, dtype=jnp.int32)
    # RelGraphConv (basis regularizer, num_bases=num_rels -> per-relation weight)
    W = jax.random.normal(ks[3], (NUM_RELS, D_IN, D_OUT), dtype=jnp.float32) * 0.05
    W_self = jax.random.normal(ks[4], (D_IN, D_OUT), dtype=jnp.float32) * 0.05
    bias = jnp.zeros((D_OUT,), dtype=jnp.float32)
    # residual linear
    W_res = jax.random.normal(ks[5], (D_IN, D_OUT), dtype=jnp.float32) * 0.05
    b_res = jnp.zeros((D_OUT,), dtype=jnp.float32)
    # batch norm affine params
    gamma = jnp.ones((D_OUT,), dtype=jnp.float32)
    beta = jnp.zeros((D_OUT,), dtype=jnp.float32)
    return {
        "node_feats": node_feats,
        "edge_index": edge_index,
        "etype": etype,
        "W": W,
        "W_self": W_self,
        "bias": bias,
        "W_res": W_res,
        "b_res": b_res,
        "gamma": gamma,
        "beta": beta,
    }


def reference(node_feats, edge_index, etype, W, W_self, bias, W_res, b_res, gamma, beta):
    src = edge_index[0]
    dst = edge_index[1]
    # project node features once per relation, then gather per edge
    all_proj = jnp.einsum('nd,rdo->rno', node_feats, W)  # [R, N, D_OUT]
    msg = all_proj[etype, src]                            # [E, D_OUT] gather
    agg = jax.ops.segment_sum(msg, dst, num_segments=N_NODES)  # scatter-add
    # self loop + bias, dropout=0.0 (identity), activation relu
    h = agg + node_feats @ W_self + bias
    h = jax.nn.relu(h)
    # residual connection: relu(Linear(x))
    res = jax.nn.relu(node_feats @ W_res + b_res)
    new = h + res
    # BatchNorm1d (training-mode batch statistics)
    mean = jnp.mean(new, axis=0)
    var = jnp.var(new, axis=0)
    out = (new - mean) / jnp.sqrt(var + 1e-5) * gamma + beta
    return out

if __name__ == "__main__":
    import jax
    _d = setup_inputs()
    print(jax.jit(kernel)(*tuple(_d.values())))

</pallas_src>

<mosaic_0001>
#map = affine_map<(d0, d1) -> (0, 0)>
#map1 = affine_map<(d0, d1) -> (0)>
#map2 = affine_map<(d0, d1) -> (0, 0, 0)>
module attributes {stable_mosaic.version = 14 : i64} {
  func.func @_sc_body(%arg0: i32, %arg1: i32, %arg2: memref<80000x128xf32, #tpu.memory_space<hbm>>, %arg3: memref<320000xi32, #tpu.memory_space<hbm>>, %arg4: memref<320000xi32, #tpu.memory_space<hbm>>, %arg5: memref<320000xi32, #tpu.memory_space<hbm>>, %arg6: memref<632x128xf32, #tpu.memory_space<hbm>>, %arg7: memref<2x10112x128xf32, #tpu.memory_space<hbm>>, %arg8: memref<2x80xi32, #tpu.memory_space<vmem>>, %arg9: memref<2x80xi32, #tpu.memory_space<vmem>>, %arg10: memref<2x80xi32, #tpu.memory_space<vmem>>, %arg11: memref<80xi32, #tpu.memory_space<vmem>>, %arg12: memref<80x128xf32, #tpu.memory_space<vmem>>, %arg13: memref<10112x128xf32, #tpu.memory_space<vmem_shared>>, %arg14: memref<!tpu.dma_semaphore, #tpu.memory_space<semaphore_mem>>, %arg15: memref<!tpu.dma_semaphore, #tpu.memory_space<semaphore_mem>>) attributes {dimension_semantics = [#tpu.dimension_semantics<core_parallel>, #tpu.dimension_semantics<subcore_parallel>], iteration_bounds = array<i64: 2, 16>, scalar_prefetch = 0 : i64, scratch_operands = 8 : i64, tpu.core_type = #tpu.core_type<sc_vector_subcore>, window_params = [{transform_indices = #map}, {transform_indices = #map1}, {transform_indices = #map1}, {transform_indices = #map1}, {transform_indices = #map}, {transform_indices = #map2}]} {
    %mul3A = arith.constant 2 : i32
    %mul3A_0 = arith.muli %arg1, %mul3A : i32
    %add3A = arith.addi %mul3A_0, %arg0 : i32
    %mul3A_1 = arith.constant 10000 : i32
    %mul3A_2 = arith.muli %add3A, %mul3A_1 : i32
    %mul3A_3 = arith.constant 632 : i32
    %mul3A_4 = arith.muli %arg1, %mul3A_3 : i32
    "tpu.region"() ({
      %run_scoped3A_169 = tpu.sem_alloc : memref<!tpu.dma_semaphore, #tpu.memory_space<semaphore_mem>>
      %dma_start3A_170 = arith.constant 0 : i32
      %dma_start3A_171 = tpu.memref_slice %arg13[%mul3A_4, %dma_start3A_170] : memref<10112x128xf32, #tpu.memory_space<vmem_shared>> -> memref<632x128xf32, #tpu.memory_space<vmem_shared>>
      tpu.enqueue_dma source(%arg6 : memref<632x128xf32, #tpu.memory_space<hbm>>) target(%dma_start3A_171 : memref<632x128xf32, #tpu.memory_space<vmem_shared>>) target_semaphore(%run_scoped3A_169 : memref<!tpu.dma_semaphore, #tpu.memory_space<semaphore_mem>>)
      %dma_wait3A_172 = arith.constant 0 : i32
      %dma_wait3A_173 = tpu.memref_slice %arg13[%mul3A_4, %dma_wait3A_172] : memref<10112x128xf32, #tpu.memory_space<vmem_shared>> -> memref<632x128xf32, #tpu.memory_space<vmem_shared>>
      tpu.wait_dma2 semaphore(%run_scoped3A_169 : memref<!tpu.dma_semaphore, #tpu.memory_space<semaphore_mem>>) src(%arg6 : memref<632x128xf32, #tpu.memory_space<hbm>>) dst(%dma_wait3A_173 : memref<632x128xf32, #tpu.memory_space<vmem_shared>>)
      tpu.yield
    }) : () -> ()
    %barrier3A = arith.constant 0 : index
    tpu.barrier barrier_id(%barrier3A)
    %add3A_5 = arith.constant 0 : i32
    %add3A_6 = arith.addi %mul3A_2, %add3A_5 : i32
    %dma_start3A = arith.constant 0 : i32
    %dma_start3A_7 = arith.constant 0 : i32
    %dma_start3A_8 = tpu.memref_slice %arg8[%dma_start3A, %dma_start3A_7] : memref<2x80xi32, #tpu.memory_space<vmem>> -> memref<1x80xi32, #tpu.memory_space<vmem>>
    %dma_start3A_9 = tpu.memref_squeeze %dma_start3A_8 : memref<1x80xi32, #tpu.memory_space<vmem>> -> memref<80xi32, #tpu.memory_space<vmem>>
    %dma_start3A_10 = tpu.memref_slice %arg3[%add3A_6] : memref<320000xi32, #tpu.memory_space<hbm>> -> memref<80xi32, #tpu.memory_space<hbm>>
    %dma_start3A_11 = arith.constant 0 : i32
    %dma_start3A_12 = tpu.memref_slice %arg8[%dma_start3A, %dma_start3A_11] : memref<2x80xi32, #tpu.memory_space<vmem>> -> memref<1x80xi32, #tpu.memory_space<vmem>>
    %dma_start3A_13 = tpu.memref_squeeze %dma_start3A_12 : memref<1x80xi32, #tpu.memory_space<vmem>> -> memref<80xi32, #tpu.memory_space<vmem>>
    %dma_start3A_14 = tpu.memref_slice %arg3[%add3A_6] : memref<320000xi32, #tpu.memory_space<hbm>> -> memref<80xi32, #tpu.memory_space<hbm>>
    tpu.enqueue_dma source(%dma_start3A_14 : memref<80xi32, #tpu.memory_space<hbm>>) target(%dma_start3A_13 : memref<80xi32, #tpu.memory_space<vmem>>) target_semaphore(%arg15 : memref<!tpu.dma_semaphore, #tpu.memory_space<semaphore_mem>>)
    %dma_start3A_15 = arith.constant 0 : i32
    %dma_start3A_16 = arith.constant 0 : i32
    %dma_start3A_17 = tpu.memref_slice %arg9[%dma_start3A_15, %dma_start3A_16] : memref<2x80xi32, #tpu.memory_space<vmem>> -> memref<1x80xi32, #tpu.memory_space<vmem>>
    %dma_start3A_18 = tpu.memref_squeeze %dma_start3A_17 : memref<1x80xi32, #tpu.memory_space<vmem>> -> memref<80xi32, #tpu.memory_space<vmem>>
    %dma_start3A_19 = tpu.memref_slice %arg4[%add3A_6] : memref<320000xi32, #tpu.memory_space<hbm>> -> memref<80xi32, #tpu.memory_space<hbm>>
    %dma_start3A_20 = arith.constant 0 : i32
    %dma_start3A_21 = tpu.memref_slice %arg9[%dma_start3A_15, %dma_start3A_20] : memref<2x80xi32, #tpu.memory_space<vmem>> -> memref<1x80xi32, #tpu.memory_space<vmem>>
    %dma_start3A_22 = tpu.memref_squeeze %dma_start3A_21 : memref<1x80xi32, #tpu.memory_space<vmem>> -> memref<80xi32, #tpu.memory_space<vmem>>
    %dma_start3A_23 = tpu.memref_slice %arg4[%add3A_6] : memref<320000xi32, #tpu.memory_space<hbm>> -> memref<80xi32, #tpu.memory_space<hbm>>
    tpu.enqueue_dma source(%dma_start3A_23 : memref<80xi32, #tpu.memory_space<hbm>>) target(%dma_start3A_22 : memref<80xi32, #tpu.memory_space<vmem>>) target_semaphore(%arg15 : memref<!tpu.dma_semaphore, #tpu.memory_space<semaphore_mem>>)
    %dma_start3A_24 = arith.constant 0 : i32
    %dma_start3A_25 = arith.constant 0 : i32
    %dma_start3A_26 = tpu.memref_slice %arg10[%dma_start3A_24, %dma_start3A_25] : memref<2x80xi32, #tpu.memory_space<vmem>> -> memref<1x80xi32, #tpu.memory_space<vmem>>
    %dma_start3A_27 = tpu.memref_squeeze %dma_start3A_26 : memref<1x80xi32, #tpu.memory_space<vmem>> -> memref<80xi32, #tpu.memory_space<vmem>>
    %dma_start3A_28 = tpu.memref_slice %arg5[%add3A_6] : memref<320000xi32, #tpu.memory_space<hbm>> -> memref<80xi32, #tpu.memory_space<hbm>>
    %dma_start3A_29 = arith.constant 0 : i32
    %dma_start3A_30 = tpu.memref_slice %arg10[%dma_start3A_24, %dma_start3A_29] : memref<2x80xi32, #tpu.memory_space<vmem>> -> memref<1x80xi32, #tpu.memory_space<vmem>>
    %dma_start3A_31 = tpu.memref_squeeze %dma_start3A_30 : memref<1x80xi32, #tpu.memory_space<vmem>> -> memref<80xi32, #tpu.memory_space<vmem>>
    %dma_start3A_32 = tpu.memref_slice %arg5[%add3A_6] : memref<320000xi32, #tpu.memory_space<hbm>> -> memref<80xi32, #tpu.memory_space<hbm>>
    tpu.enqueue_dma source(%dma_start3A_32 : memref<80xi32, #tpu.memory_space<hbm>>) target(%dma_start3A_31 : memref<80xi32, #tpu.memory_space<vmem>>) target_semaphore(%arg15 : memref<!tpu.dma_semaphore, #tpu.memory_space<semaphore_mem>>)
    %scan3A = arith.constant 0 : i32
    %scan3A_33 = arith.constant 0 : i32
    %scan3A_34 = arith.constant 62 : i32
    %scan3A_35 = arith.addi %scan3A_33, %scan3A_34 : i32
    %scan3A_36 = arith.constant 1 : i32
    scf.for %scan3A_169 = %scan3A_33 to %scan3A_35 step %scan3A_36  : i32 {
      %mul3A_170 = arith.constant 2 : i32
      %mul3A_171 = arith.muli %mul3A_170, %scan3A_169 : i32
      %dma_wait3A_172 = arith.constant 0 : i32
      %dma_wait3A_173 = arith.constant 0 : i32
      %dma_wait3A_174 = tpu.memref_slice %arg8[%dma_wait3A_172, %dma_wait3A_173] : memref<2x80xi32, #tpu.memory_space<vmem>> -> memref<1x80xi32, #tpu.memory_space<vmem>>
      %dma_wait3A_175 = tpu.memref_squeeze %dma_wait3A_174 : memref<1x80xi32, #tpu.memory_space<vmem>> -> memref<80xi32, #tpu.memory_space<vmem>>
      %dma_wait3A_176 = arith.constant 0 : i32
      %dma_wait3A_177 = tpu.memref_slice %arg3[%dma_wait3A_176] : memref<320000xi32, #tpu.memory_space<hbm>> -> memref<80xi32, #tpu.memory_space<hbm>>
      %dma_wait3A_178 = arith.constant 0 : i32
      %dma_wait3A_179 = tpu.memref_slice %arg8[%dma_wait3A_172, %dma_wait3A_178] : memref<2x80xi32, #tpu.memory_space<vmem>> -> memref<1x80xi32, #tpu.memory_space<vmem>>
      %dma_wait3A_180 = tpu.memref_squeeze %dma_wait3A_179 : memref<1x80xi32, #tpu.memory_space<vmem>> -> memref<80xi32, #tpu.memory_space<vmem>>
      %dma_wait3A_181 = arith.constant 0 : i32
      %dma_wait3A_182 = tpu.memref_slice %arg3[%dma_wait3A_181] : memref<320000xi32, #tpu.memory_space<hbm>> -> memref<80xi32, #tpu.memory_space<hbm>>
      tpu.wait_dma2 semaphore(%arg15 : memref<!tpu.dma_semaphore, #tpu.memory_space<semaphore_mem>>) src(%dma_wait3A_182 : memref<80xi32, #tpu.memory_space<hbm>>) dst(%dma_wait3A_180 : memref<80xi32, #tpu.memory_space<vmem>>)
      %dma_wait3A_183 = arith.constant 0 : i32
      %dma_wait3A_184 = arith.constant 0 : i32
      %dma_wait3A_185 = tpu.memref_slice %arg9[%dma_wait3A_183, %dma_wait3A_184] : memref<2x80xi32, #tpu.memory_space<vmem>> -> memref<1x80xi32, #tpu.memory_space<vmem>>
      %dma_wait3A_186 = tpu.memref_squeeze %dma_wait3A_185 : memref<1x80xi32, #tpu.memory_space<vmem>> -> memref<80xi32, #tpu.memory_space<vmem>>
      %dma_wait3A_187 = arith.constant 0 : i32
      %dma_wait3A_188 = tpu.memref_slice %arg4[%dma_wait3A_187] : memref<320000xi32, #tpu.memory_space<hbm>> -> memref<80xi32, #tpu.memory_space<hbm>>
      %dma_wait3A_189 = arith.constant 0 : i32
      %dma_wait3A_190 = tpu.memref_slice %arg9[%dma_wait3A_183, %dma_wait3A_189] : memref<2x80xi32, #tpu.memory_space<vmem>> -> memref<1x80xi32, #tpu.memory_space<vmem>>
      %dma_wait3A_191 = tpu.memref_squeeze %dma_wait3A_190 : memref<1x80xi32, #tpu.memory_space<vmem>> -> memref<80xi32, #tpu.memory_space<vmem>>
      %dma_wait3A_192 = arith.constant 0 : i32
      %dma_wait3A_193 = tpu.memref_slice %arg4[%dma_wait3A_192] : memref<320000xi32, #tpu.memory_space<hbm>> -> memref<80xi32, #tpu.memory_space<hbm>>
      tpu.wait_dma2 semaphore(%arg15 : memref<!tpu.dma_semaphore, #tpu.memory_space<semaphore_mem>>) src(%dma_wait3A_193 : memref<80xi32, #tpu.memory_space<hbm>>) dst(%dma_wait3A_191 : memref<80xi32, #tpu.memory_space<vmem>>)
      %dma_wait3A_194 = arith.constant 0 : i32
      %dma_wait3A_195 = arith.constant 0 : i32
      %dma_wait3A_196 = tpu.memref_slice %arg10[%dma_wait3A_194, %dma_wait3A_195] : memref<2x80xi32, #tpu.memory_space<vmem>> -> memref<1x80xi32, #tpu.memory_space<vmem>>
      %dma_wait3A_197 = tpu.memref_squeeze %dma_wait3A_196 : memref<1x80xi32, #tpu.memory_space<vmem>> -> memref<80xi32, #tpu.memory_space<vmem>>
      %dma_wait3A_198 = arith.constant 0 : i32
      %dma_wait3A_199 = tpu.memref_slice %arg5[%dma_wait3A_198] : memref<320000xi32, #tpu.memory_space<hbm>> -> memref<80xi32, #tpu.memory_space<hbm>>
      %dma_wait3A_200 = arith.constant 0 : i32
      %dma_wait3A_201 = tpu.memref_slice %arg10[%dma_wait3A_194, %dma_wait3A_200] : memref<2x80xi32, #tpu.memory_space<vmem>> -> memref<1x80xi32, #tpu.memory_space<vmem>>
      %dma_wait3A_202 = tpu.memref_squeeze %dma_wait3A_201 : memref<1x80xi32, #tpu.memory_space<vmem>> -> memref<80xi32, #tpu.memory_space<vmem>>
      %dma_wait3A_203 = arith.constant 0 : i32
      %dma_wait3A_204 = tpu.memref_slice %arg5[%dma_wait3A_203] : memref<320000xi32, #tpu.memory_space<hbm>> -> memref<80xi32, #tpu.memory_space<hbm>>
      tpu.wait_dma2 semaphore(%arg15 : memref<!tpu.dma_semaphore, #tpu.memory_space<semaphore_mem>>) src(%dma_wait3A_204 : memref<80xi32, #tpu.memory_space<hbm>>) dst(%dma_wait3A_202 : memref<80xi32, #tpu.memory_space<vmem>>)
      %add3A_205 = arith.constant 1 : i32
      %add3A_206 = arith.addi %mul3A_171, %add3A_205 : i32
      %lt3A = arith.constant 125 : i32
      %lt3A_207 = arith.cmpi slt, %add3A_206, %lt3A : i32
      %convert_element_type3A = arith.extui %lt3A_207 : i1 to i32
      %cond3A = arith.constant 0 : i32
      %cond3A_208 = arith.cmpi ne, %convert_element_type3A, %cond3A : i32
      scf.if %cond3A_208 {
        %add3A_447 = arith.constant 1 : i32
        %add3A_448 = arith.addi %mul3A_171, %add3A_447 : i32
        %mul3A_449 = arith.constant 80 : i32
        %mul3A_450 = arith.muli %add3A_448, %mul3A_449 : i32
        %add3A_451 = arith.addi %mul3A_2, %mul3A_450 : i32
        %dma_start3A_452 = arith.constant 1 : i32
        %dma_start3A_453 = arith.constant 0 : i32
        %dma_start3A_454 = tpu.memref_slice %arg8[%dma_start3A_452, %dma_start3A_453] : memref<2x80xi32, #tpu.memory_space<vmem>> -> memref<1x80xi32, #tpu.memory_space<vmem>>
        %dma_start3A_455 = tpu.memref_squeeze %dma_start3A_454 : memref<1x80xi32, #tpu.memory_space<vmem>> -> memref<80xi32, #tpu.memory_space<vmem>>
        %dma_start3A_456 = tpu.memref_slice %arg3[%add3A_451] : memref<320000xi32, #tpu.memory_space<hbm>> -> memref<80xi32, #tpu.memory_space<hbm>>
        %dma_start3A_457 = arith.constant 0 : i32
        %dma_start3A_458 = tpu.memref_slice %arg8[%dma_start3A_452, %dma_start3A_457] : memref<2x80xi32, #tpu.memory_space<vmem>> -> memref<1x80xi32, #tpu.memory_space<vmem>>
        %dma_start3A_459 = tpu.memref_squeeze %dma_start3A_458 : memref<1x80xi32, #tpu.memory_space<vmem>> -> memref<80xi32, #tpu.memory_space<vmem>>
        %dma_start3A_460 = tpu.memref_slice %arg3[%add3A_451] : memref<320000xi32, #tpu.memory_space<hbm>> -> memref<80xi32, #tpu.memory_space<hbm>>
        tpu.enqueue_dma source(%dma_start3A_460 : memref<80xi32, #tpu.memory_space<hbm>>) target(%dma_start3A_459 : memref<80xi32, #tpu.memory_space<vmem>>) target_semaphore(%arg15 : memref<!tpu.dma_semaphore, #tpu.memory_space<semaphore_mem>>)
        %dma_start3A_461 = arith.constant 1 : i32
        %dma_start3A_462 = arith.constant 0 : i32
        %dma_start3A_463 = tpu.memref_slice %arg9[%dma_start3A_461, %dma_start3A_462] : memref<2x80xi32, #tpu.memory_space<vmem>> -> memref<1x80xi32, #tpu.memory_space<vmem>>
        %dma_start3A_464 = tpu.memref_squeeze %dma_start3A_463 : memref<1x80xi32, #tpu.memory_space<vmem>> -> memref<80xi32, #tpu.memory_space<vmem>>
        %dma_start3A_465 = tpu.memref_slice %arg4[%add3A_451] : memref<320000xi32, #tpu.memory_space<hbm>> -> memref<80xi32, #tpu.memory_space<hbm>>
        %dma_start3A_466 = arith.constant 0 : i32
        %dma_start3A_467 = tpu.memref_slice %arg9[%dma_start3A_461, %dma_start3A_466] : memref<2x80xi32, #tpu.memory_space<vmem>> -> memref<1x80xi32, #tpu.memory_space<vmem>>
        %dma_start3A_468 = tpu.memref_squeeze %dma_start3A_467 : memref<1x80xi32, #tpu.memory_space<vmem>> -> memref<80xi32, #tpu.memory_space<vmem>>
        %dma_start3A_469 = tpu.memref_slice %arg4[%add3A_451] : memref<320000xi32, #tpu.memory_space<hbm>> -> memref<80xi32, #tpu.memory_space<hbm>>
        tpu.enqueue_dma source(%dma_start3A_469 : memref<80xi32, #tpu.memory_space<hbm>>) target(%dma_start3A_468 : memref<80xi32, #tpu.memory_space<vmem>>) target_semaphore(%arg15 : memref<!tpu.dma_semaphore, #tpu.memory_space<semaphore_mem>>)
        %dma_start3A_470 = arith.constant 1 : i32
        %dma_start3A_471 = arith.constant 0 : i32
        %dma_start3A_472 = tpu.memref_slice %arg10[%dma_start3A_470, %dma_start3A_471] : memref<2x80xi32, #tpu.memory_space<vmem>> -> memref<1x80xi32, #tpu.memory_space<vmem>>
        %dma_start3A_473 = tpu.memref_squeeze %dma_start3A_472 : memref<1x80xi32, #tpu.memory_space<vmem>> -> memref<80xi32, #tpu.memory_space<vmem>>
        %dma_start3A_474 = tpu.memref_slice %arg5[%add3A_451] : memref<320000xi32, #tpu.memory_space<hbm>> -> memref<80xi32, #tpu.memory_space<hbm>>
        %dma_start3A_475 = arith.constant 0 : i32
        %dma_start3A_476 = tpu.memref_slice %arg10[%dma_start3A_470, %dma_start3A_475] : memref<2x80xi32, #tpu.memory_space<vmem>> -> memref<1x80xi32, #tpu.memory_space<vmem>>
        %dma_start3A_477 = tpu.memref_squeeze %dma_start3A_476 : memref<1x80xi32, #tpu.memory_space<vmem>> -> memref<80xi32, #tpu.memory_space<vmem>>
        %dma_start3A_478 = tpu.memref_slice %arg5[%add3A_451] : memref<320000xi32, #tpu.memory_space<hbm>> -> memref<80xi32, #tpu.memory_space<hbm>>
        tpu.enqueue_dma source(%dma_start3A_478 : memref<80xi32, #tpu.memory_space<hbm>>) target(%dma_start3A_477 : memref<80xi32, #tpu.memory_space<vmem>>) target_semaphore(%arg15 : memref<!tpu.dma_semaphore, #tpu.memory_space<semaphore_mem>>)
      } else {
      }
      %get3A_209 = arith.constant 0 : i32
      %get3A_210 = arith.index_cast %get3A_209 : i32 to index
      %get3A_211 = arith.constant 0 : index
      %get3A_212 = tpu.vector_load %arg9[%get3A_210, %get3A_211] {strides = array<i32>} : memref<2x80xi32, #tpu.memory_space<vmem>>, vector<1x16xi32>,
      %get3A_213 = vector.shape_cast %get3A_212 : vector<1x16xi32> to vector<16xi32>
      %mul3A_214 = arith.constant 10000 : i32
      %mul3A_215 = vector.broadcast %mul3A_214 : i32 to vector<16xi32>
      %mul3A_216 = arith.muli %get3A_213, %mul3A_215 : vector<16xi32>
      %get3A_217 = arith.constant 0 : i32
      %get3A_218 = arith.index_cast %get3A_217 : i32 to index
      %get3A_219 = arith.constant 0 : index
      %get3A_220 = tpu.vector_load %arg8[%get3A_218, %get3A_219] {strides = array<i32>} : memref<2x80xi32, #tpu.memory_space<vmem>>, vector<1x16xi32>,
      %get3A_221 = vector.shape_cast %get3A_220 : vector<1x16xi32> to vector<16xi32>
      %add3A_222 = arith.addi %mul3A_216, %get3A_221 : vector<16xi32>
      %swap3A_223 = arith.constant 0 : index
      %swap3A_224 = tpu.vector_load %arg11[%swap3A_223] {strides = array<i32>} : memref<80xi32, #tpu.memory_space<vmem>>, vector<16xi32>,
      %swap3A_225 = vector.shape_cast %swap3A_224 : vector<16xi32> to vector<16xi32>
      %swap3A_226 = vector.shape_cast %add3A_222 : vector<16xi32> to vector<16xi32>
      tpu.vector_store %arg11[%swap3A_223], %swap3A_226 {strides = array<i32>} : memref<80xi32, #tpu.memory_space<vmem>>, vector<16xi32>,
      %get3A_227 = arith.constant 0 : i32
      %get3A_228 = arith.index_cast %get3A_227 : i32 to index
      %get3A_229 = arith.constant 16 : index
      %get3A_230 = tpu.vector_load %arg9[%get3A_228, %get3A_229] {strides = array<i32>} : memref<2x80xi32, #tpu.memory_space<vmem>>, vector<1x16xi32>,
      %get3A_231 = vector.shape_cast %get3A_230 : vector<1x16xi32> to vector<16xi32>
      %mul3A_232 = arith.constant 10000 : i32
      %mul3A_233 = vector.broadcast %mul3A_232 : i32 to vector<16xi32>
      %mul3A_234 = arith.muli %get3A_231, %mul3A_233 : vector<16xi32>
      %get3A_235 = arith.constant 0 : i32
      %get3A_236 = arith.index_cast %get3A_235 : i32 to index
      %get3A_237 = arith.constant 16 : index
      %get3A_238 = tpu.vector_load %arg8[%get3A_236, %get3A_237] {strides = array<i32>} : memref<2x80xi32, #tpu.memory_space<vmem>>, vector<1x16xi32>,
      %get3A_239 = vector.shape_cast %get3A_238 : vector<1x16xi32> to vector<16xi32>
      %add3A_240 = arith.addi %mul3A_234, %get3A_239 : vector<16xi32>
      %swap3A_241 = arith.constant 16 : index
      %swap3A_242 = tpu.vector_load %arg11[%swap3A_241] {strides = array<i32>} : memref<80xi32, #tpu.memory_space<vmem>>, vector<16xi32>,
      %swap3A_243 = vector.shape_cast %swap3A_242 : vector<16xi32> to vector<16xi32>
      %swap3A_244 = vector.shape_cast %add3A_240 : vector<16xi32> to vector<16xi32>
      tpu.vector_store %arg11[%swap3A_241], %swap3A_244 {strides = array<i32>} : memref<80xi32, #tpu.memory_space<vmem>>, vector<16xi32>,
      %get3A_245 = arith.constant 0 : i32
      %get3A_246 = arith.index_cast %get3A_245 : i32 to index
      %get3A_247 = arith.constant 32 : index
      %get3A_248 = tpu.vector_load %arg9[%get3A_246, %get3A_247] {strides = array<i32>} : memref<2x80xi32, #tpu.memory_space<vmem>>, vector<1x16xi32>,
      %get3A_249 = vector.shape_cast %get3A_248 : vector<1x16xi32> to vector<16xi32>
      %mul3A_250 = arith.constant 10000 : i32
      %mul3A_251 = vector.broadcast %mul3A_250 : i32 to vector<16xi32>
      %mul3A_252 = arith.muli %get3A_249, %mul3A_251 : vector<16xi32>
      %get3A_253 = arith.constant 0 : i32
      %get3A_254 = arith.index_cast %get3A_253 : i32 to index
      %get3A_255 = arith.constant 32 : index
      %get3A_256 = tpu.vector_load %arg8[%get3A_254, %get3A_255] {strides = array<i32>} : memref<2x80xi32, #tpu.memory_space<vmem>>, vector<1x16xi32>,
      %get3A_257 = vector.shape_cast %get3A_256 : vector<1x16xi32> to vector<16xi32>
      %add3A_258 = arith.addi %mul3A_252, %get3A_257 : vector<16xi32>
      %swap3A_259 = arith.constant 32 : index
      %swap3A_260 = tpu.vector_load %arg11[%swap3A_259] {strides = array<i32>} : memref<80xi32, #tpu.memory_space<vmem>>, vector<16xi32>,
      %swap3A_261 = vector.shape_cast %swap3A_260 : vector<16xi32> to vector<16xi32>
      %swap3A_262 = vector.shape_cast %add3A_258 : vector<16xi32> to vector<16xi32>
      tpu.vector_store %arg11[%swap3A_259], %swap3A_262 {strides = array<i32>} : memref<80xi32, #tpu.memory_space<vmem>>, vector<16xi32>,
      %get3A_263 = arith.constant 0 : i32
      %get3A_264 = arith.index_cast %get3A_263 : i32 to index
      %get3A_265 = arith.constant 48 : index
      %get3A_266 = tpu.vector_load %arg9[%get3A_264, %get3A_265] {strides = array<i32>} : memref<2x80xi32, #tpu.memory_space<vmem>>, vector<1x16xi32>,
      %get3A_267 = vector.shape_cast %get3A_266 : vector<1x16xi32> to vector<16xi32>
      %mul3A_268 = arith.constant 10000 : i32
      %mul3A_269 = vector.broadcast %mul3A_268 : i32 to vector<16xi32>
      %mul3A_270 = arith.muli %get3A_267, %mul3A_269 : vector<16xi32>
      %get3A_271 = arith.constant 0 : i32
      %get3A_272 = arith.index_cast %get3A_271 : i32 to index
      %get3A_273 = arith.constant 48 : index
      %get3A_274 = tpu.vector_load %arg8[%get3A_272, %get3A_273] {strides = array<i32>} : memref<2x80xi32, #tpu.memory_space<vmem>>, vector<1x16xi32>,
      %get3A_275 = vector.shape_cast %get3A_274 : vector<1x16xi32> to vector<16xi32>
      %add3A_276 = arith.addi %mul3A_270, %get3A_275 : vector<16xi32>
      %swap3A_277 = arith.constant 48 : index
      %swap3A_278 = tpu.vector_load %arg11[%swap3A_277] {strides = array<i32>} : memref<80xi32, #tpu.memory_space<vmem>>, vector<16xi32>,
      %swap3A_279 = vector.shape_cast %swap3A_278 : vector<16xi32> to vector<16xi32>
      %swap3A_280 = vector.shape_cast %add3A_276 : vector<16xi32> to vector<16xi32>
      tpu.vector_store %arg11[%swap3A_277], %swap3A_280 {strides = array<i32>} : memref<80xi32, #tpu.memory_space<vmem>>, vector<16xi32>,
      %get3A_281 = arith.constant 0 : i32
      %get3A_282 = arith.index_cast %get3A_281 : i32 to index
      %get3A_283 = arith.constant 64 : index
      %get3A_284 = tpu.vector_load %arg9[%get3A_282, %get3A_283] {strides = array<i32>} : memref<2x80xi32, #tpu.memory_space<vmem>>, vector<1x16xi32>,
      %get3A_285 = vector.shape_cast %get3A_284 : vector<1x16xi32> to vector<16xi32>
      %mul3A_286 = arith.constant 10000 : i32
      %mul3A_287 = vector.broadcast %mul3A_286 : i32 to vector<16xi32>
      %mul3A_288 = arith.muli %get3A_285, %mul3A_287 : vector<16xi32>
      %get3A_289 = arith.constant 0 : i32
      %get3A_290 = arith.index_cast %get3A_289 : i32 to index
      %get3A_291 = arith.constant 64 : index
      %get3A_292 = tpu.vector_load %arg8[%get3A_290, %get3A_291] {strides = array<i32>} : memref<2x80xi32, #tpu.memory_space<vmem>>, vector<1x16xi32>,
      %get3A_293 = vector.shape_cast %get3A_292 : vector<1x16xi32> to vector<16xi32>
      %add3A_294 = arith.addi %mul3A_288, %get3A_293 : vector<16xi32>
      %swap3A_295 = arith.constant 64 : index
      %swap3A_296 = tpu.vector_load %arg11[%swap3A_295] {strides = array<i32>} : memref<80xi32, #tpu.memory_space<vmem>>, vector<16xi32>,
      %swap3A_297 = vector.shape_cast %swap3A_296 : vector<16xi32> to vector<16xi32>
      %swap3A_298 = vector.shape_cast %add3A_294 : vector<16xi32> to vector<16xi32>
      tpu.vector_store %arg11[%swap3A_295], %swap3A_298 {strides = array<i32>} : memref<80xi32, #tpu.memory_space<vmem>>, vector<16xi32>,
      %dma_start3A_299 = arith.constant 0 : i32
      %dma_start3A_300 = arith.constant 0 : i32
      %dma_start3A_301 = tpu.memref_slice %arg2[%dma_start3A_299, %dma_start3A_300] : memref<80000x128xf32, #tpu.memory_space<hbm>> -> memref<80000x128xf32, #tpu.memory_space<hbm>>
      tpu.enqueue_indirect_dma source(%dma_start3A_301 : memref<80000x128xf32, #tpu.memory_space<hbm>>) target(%arg12 : memref<80x128xf32, #tpu.memory_space<vmem>>) offsets(%arg11 : memref<80xi32, #tpu.memory_space<vmem>>) semaphore(%arg14 : memref<!tpu.dma_semaphore, #tpu.memory_space<semaphore_mem>>)
      %dma_wait3A_302 = arith.constant 0 : i32
      %dma_wait3A_303 = arith.constant 0 : i32
      %dma_wait3A_304 = tpu.memref_slice %arg2[%dma_wait3A_302, %dma_wait3A_303] : memref<80000x128xf32, #tpu.memory_space<hbm>> -> memref<80000x128xf32, #tpu.memory_space<hbm>>
      tpu.wait_indirect_dma semaphore(%arg14 : memref<!tpu.dma_semaphore, #tpu.memory_space<semaphore_mem>>) src(%dma_wait3A_304 : memref<80000x128xf32, #tpu.memory_space<hbm>>) dst(%arg12 : memref<80x128xf32, #tpu.memory_space<vmem>>)
      %run_scoped3A_305 = arith.constant 0 : i32
      "tpu.region"() ({
        %run_scoped3A_447 = tpu.sem_alloc : memref<!tpu.dma_semaphore, #tpu.memory_space<semaphore_mem>>
        %dma_start3A_448 = arith.constant 0 : i32
        %dma_start3A_449 = tpu.memref_slice %arg10[%run_scoped3A_305, %dma_start3A_448] : memref<2x80xi32, #tpu.memory_space<vmem>> -> memref<1x80xi32, #tpu.memory_space<vmem>>
        %dma_start3A_450 = tpu.memref_squeeze %dma_start3A_449 : memref<1x80xi32, #tpu.memory_space<vmem>> -> memref<80xi32, #tpu.memory_space<vmem>>
        %dma_start3A_451 = arith.constant 0 : i32
        %dma_start3A_452 = arith.constant 0 : i32
        %dma_start3A_453 = tpu.memref_slice %arg13[%dma_start3A_451, %dma_start3A_452] : memref<10112x128xf32, #tpu.memory_space<vmem_shared>> -> memref<10112x128xf32, #tpu.memory_space<vmem_shared>>
        tpu.enqueue_indirect_dma source(%arg12 : memref<80x128xf32, #tpu.memory_space<vmem>>) target(%dma_start3A_453 : memref<10112x128xf32, #tpu.memory_space<vmem_shared>>) offsets(%dma_start3A_450 : memref<80xi32, #tpu.memory_space<vmem>>) semaphore(%run_scoped3A_447 : memref<!tpu.dma_semaphore, #tpu.memory_space<semaphore_mem>>) {add = true}
        %dma_wait3A_454 = arith.constant 0 : i32
        %dma_wait3A_455 = tpu.memref_slice %arg10[%run_scoped3A_305, %dma_wait3A_454] : memref<2x80xi32, #tpu.memory_space<vmem>> -> memref<1x80xi32, #tpu.memory_space<vmem>>
        %dma_wait3A_456 = tpu.memref_squeeze %dma_wait3A_455 : memref<1x80xi32, #tpu.memory_space<vmem>> -> memref<80xi32, #tpu.memory_space<vmem>>
        %dma_wait3A_457 = arith.constant 0 : i32
        %dma_wait3A_458 = arith.constant 0 : i32
        %dma_wait3A_459 = tpu.memref_slice %arg13[%dma_wait3A_457, %dma_wait3A_458] : memref<10112x128xf32, #tpu.memory_space<vmem_shared>> -> memref<10112x128xf32, #tpu.memory_space<vmem_shared>>
        tpu.wait_indirect_dma semaphore(%run_scoped3A_447 : memref<!tpu.dma_semaphore, #tpu.memory_space<semaphore_mem>>) src(%arg12 : memref<80x128xf32, #tpu.memory_space<vmem>>) dst(%dma_wait3A_459 : memref<10112x128xf32, #tpu.memory_space<vmem_shared>>)
        tpu.yield
      }) : () -> ()
      %mul3A_306 = arith.constant 2 : i32
      %mul3A_307 = arith.muli %mul3A_306, %scan3A_169 : i32
      %add3A_308 = arith.constant 1 : i32
      %add3A_309 = arith.addi %mul3A_307, %add3A_308 : i32
      %dma_wait3A_310 = arith.constant 1 : i32
      %dma_wait3A_311 = arith.constant 0 : i32
      %dma_wait3A_312 = tpu.memref_slice %arg8[%dma_wait3A_310, %dma_wait3A_311] : memref<2x80xi32, #tpu.memory_space<vmem>> -> memref<1x80xi32, #tpu.memory_space<vmem>>
      %dma_wait3A_313 = tpu.memref_squeeze %dma_wait3A_312 : memref<1x80xi32, #tpu.memory_space<vmem>> -> memref<80xi32, #tpu.memory_space<vmem>>
      %dma_wait3A_314 = arith.constant 0 : i32
      %dma_wait3A_315 = tpu.memref_slice %arg3[%dma_wait3A_314] : memref<320000xi32, #tpu.memory_space<hbm>> -> memref<80xi32, #tpu.memory_space<hbm>>
      %dma_wait3A_316 = arith.constant 0 : i32
      %dma_wait3A_317 = tpu.memref_slice %arg8[%dma_wait3A_310, %dma_wait3A_316] : memref<2x80xi32, #tpu.memory_space<vmem>> -> memref<1x80xi32, #tpu.memory_space<vmem>>
      %dma_wait3A_318 = tpu.memref_squeeze %dma_wait3A_317 : memref<1x80xi32, #tpu.memory_space<vmem>> -> memref<80xi32, #tpu.memory_space<vmem>>
      %dma_wait3A_319 = arith.constant 0 : i32
      %dma_wait3A_320 = tpu.memref_slice %arg3[%dma_wait3A_319] : memref<320000xi32, #tpu.memory_space<hbm>> -> memref<80xi32, #tpu.memory_space<hbm>>
      tpu.wait_dma2 semaphore(%arg15 : memref<!tpu.dma_semaphore, #tpu.memory_space<semaphore_mem>>) src(%dma_wait3A_320 : memref<80xi32, #tpu.memory_space<hbm>>) dst(%dma_wait3A_318 : memref<80xi32, #tpu.memory_space<vmem>>)
      %dma_wait3A_321 = arith.constant 1 : i32
      %dma_wait3A_322 = arith.constant 0 : i32
      %dma_wait3A_323 = tpu.memref_slice %arg9[%dma_wait3A_321, %dma_wait3A_322] : memref<2x80xi32, #tpu.memory_space<vmem>> -> memref<1x80xi32, #tpu.memory_space<vmem>>
      %dma_wait3A_324 = tpu.memref_squeeze %dma_wait3A_323 : memref<1x80xi32, #tpu.memory_space<vmem>> -> memref<80xi32, #tpu.memory_space<vmem>>
      %dma_wait3A_325 = arith.constant 0 : i32
      %dma_wait3A_326 = tpu.memref_slice %arg4[%dma_wait3A_325] : memref<320000xi32, #tpu.memory_space<hbm>> -> memref<80xi32, #tpu.memory_space<hbm>>
      %dma_wait3A_327 = arith.constant 0 : i32
      %dma_wait3A_328 = tpu.memref_slice %arg9[%dma_wait3A_321, %dma_wait3A_327] : memref<2x80xi32, #tpu.memory_space<vmem>> -> memref<1x80xi32, #tpu.memory_space<vmem>>
      %dma_wait3A_329 = tpu.memref_squeeze %dma_wait3A_328 : memref<1x80xi32, #tpu.memory_space<vmem>> -> memref<80xi32, #tpu.memory_space<vmem>>
      %dma_wait3A_330 = arith.constant 0 : i32
      %dma_wait3A_331 = tpu.memref_slice %arg4[%dma_wait3A_330] : memref<320000xi32, #tpu.memory_space<hbm>> -> memref<80xi32, #tpu.memory_space<hbm>>
      tpu.wait_dma2 semaphore(%arg15 : memref<!tpu.dma_semaphore, #tpu.memory_space<semaphore_mem>>) src(%dma_wait3A_331 : memref<80xi32, #tpu.memory_space<hbm>>) dst(%dma_wait3A_329 : memref<80xi32, #tpu.memory_space<vmem>>)
      %dma_wait3A_332 = arith.constant 1 : i32
      %dma_wait3A_333 = arith.constant 0 : i32
      %dma_wait3A_334 = tpu.memref_slice %arg10[%dma_wait3A_332, %dma_wait3A_333] : memref<2x80xi32, #tpu.memory_space<vmem>> -> memref<1x80xi32, #tpu.memory_space<vmem>>
      %dma_wait3A_335 = tpu.memref_squeeze %dma_wait3A_334 : memref<1x80xi32, #tpu.memory_space<vmem>> -> memref<80xi32, #tpu.memory_space<vmem>>
      %dma_wait3A_336 = arith.constant 0 : i32
      %dma_wait3A_337 = tpu.memref_slice %arg5[%dma_wait3A_336] : memref<320000xi32, #tpu.memory_space<hbm>> -> memref<80xi32, #tpu.memory_space<hbm>>
      %dma_wait3A_338 = arith.constant 0 : i32
      %dma_wait3A_339 = tpu.memref_slice %arg10[%dma_wait3A_332, %dma_wait3A_338] : memref<2x80xi32, #tpu.memory_space<vmem>> -> memref<1x80xi32, #tpu.memory_space<vmem>>
      %dma_wait3A_340 = tpu.memref_squeeze %dma_wait3A_339 : memref<1x80xi32, #tpu.memory_space<vmem>> -> memref<80xi32, #tpu.memory_space<vmem>>
      %dma_wait3A_341 = arith.constant 0 : i32
      %dma_wait3A_342 = tpu.memref_slice %arg5[%dma_wait3A_341] : memref<320000xi32, #tpu.memory_space<hbm>> -> memref<80xi32, #tpu.memory_space<hbm>>
      tpu.wait_dma2 semaphore(%arg15 : memref<!tpu.dma_semaphore, #tpu.memory_space<semaphore_mem>>) src(%dma_wait3A_342 : memref<80xi32, #tpu.memory_space<hbm>>) dst(%dma_wait3A_340 : memref<80xi32, #tpu.memory_space<vmem>>)
      %add3A_343 = arith.constant 1 : i32
      %add3A_344 = arith.addi %add3A_309, %add3A_343 : i32
      %lt3A_345 = arith.constant 125 : i32
      %lt3A_346 = arith.cmpi slt, %add3A_344, %lt3A_345 : i32
      %convert_element_type3A_347 = arith.extui %lt3A_346 : i1 to i32
      %cond3A_348 = arith.constant 0 : i32
      %cond3A_349 = arith.cmpi ne, %convert_element_type3A_347, %cond3A_348 : i32
      scf.if %cond3A_349 {
        %add3A_447 = arith.constant 1 : i32
        %add3A_448 = arith.addi %add3A_309, %add3A_447 : i32
        %mul3A_449 = arith.constant 80 : i32
        %mul3A_450 = arith.muli %add3A_448, %mul3A_449 : i32
        %add3A_451 = arith.addi %mul3A_2, %mul3A_450 : i32
        %dma_start3A_452 = arith.constant 0 : i32
        %dma_start3A_453 = arith.constant 0 : i32
        %dma_start3A_454 = tpu.memref_slice %arg8[%dma_start3A_452, %dma_start3A_453] : memref<2x80xi32, #tpu.memory_space<vmem>> -> memref<1x80xi32, #tpu.memory_space<vmem>>
        %dma_start3A_455 = tpu.memref_squeeze %dma_start3A_454 : memref<1x80xi32, #tpu.memory_space<vmem>> -> memref<80xi32, #tpu.memory_space<vmem>>
        %dma_start3A_456 = tpu.memref_slice %arg3[%add3A_451] : memref<320000xi32, #tpu.memory_space<hbm>> -> memref<80xi32, #tpu.memory_space<hbm>>
        %dma_start3A_457 = arith.constant 0 : i32
        %dma_start3A_458 = tpu.memref_slice %arg8[%dma_start3A_452, %dma_start3A_457] : memref<2x80xi32, #tpu.memory_space<vmem>> -> memref<1x80xi32, #tpu.memory_space<vmem>>
        %dma_start3A_459 = tpu.memref_squeeze %dma_start3A_458 : memref<1x80xi32, #tpu.memory_space<vmem>> -> memref<80xi32, #tpu.memory_space<vmem>>
        %dma_start3A_460 = tpu.memref_slice %arg3[%add3A_451] : memref<320000xi32, #tpu.memory_space<hbm>> -> memref<80xi32, #tpu.memory_space<hbm>>
        tpu.enqueue_dma source(%dma_start3A_460 : memref<80xi32, #tpu.memory_space<hbm>>) target(%dma_start3A_459 : memref<80xi32, #tpu.memory_space<vmem>>) target_semaphore(%arg15 : memref<!tpu.dma_semaphore, #tpu.memory_space<semaphore_mem>>)
        %dma_start3A_461 = arith.constant 0 : i32
        %dma_start3A_462 = arith.constant 0 : i32
        %dma_start3A_463 = tpu.memref_slice %arg9[%dma_start3A_461, %dma_start3A_462] : memref<2x80xi32, #tpu.memory_space<vmem>> -> memref<1x80xi32, #tpu.memory_space<vmem>>
        %dma_start3A_464 = tpu.memref_squeeze %dma_start3A_463 : memref<1x80xi32, #tpu.memory_space<vmem>> -> memref<80xi32, #tpu.memory_space<vmem>>
        %dma_start3A_465 = tpu.memref_slice %arg4[%add3A_451] : memref<320000xi32, #tpu.memory_space<hbm>> -> memref<80xi32, #tpu.memory_space<hbm>>
        %dma_start3A_466 = arith.constant 0 : i32
        %dma_start3A_467 = tpu.memref_slice %arg9[%dma_start3A_461, %dma_start3A_466] : memref<2x80xi32, #tpu.memory_space<vmem>> -> memref<1x80xi32, #tpu.memory_space<vmem>>
        %dma_start3A_468 = tpu.memref_squeeze %dma_start3A_467 : memref<1x80xi32, #tpu.memory_space<vmem>> -> memref<80xi32, #tpu.memory_space<vmem>>
        %dma_start3A_469 = tpu.memref_slice %arg4[%add3A_451] : memref<320000xi32, #tpu.memory_space<hbm>> -> memref<80xi32, #tpu.memory_space<hbm>>
        tpu.enqueue_dma source(%dma_start3A_469 : memref<80xi32, #tpu.memory_space<hbm>>) target(%dma_start3A_468 : memref<80xi32, #tpu.memory_space<vmem>>) target_semaphore(%arg15 : memref<!tpu.dma_semaphore, #tpu.memory_space<semaphore_mem>>)
        %dma_start3A_470 = arith.constant 0 : i32
        %dma_start3A_471 = arith.constant 0 : i32
        %dma_start3A_472 = tpu.memref_slice %arg10[%dma_start3A_470, %dma_start3A_471] : memref<2x80xi32, #tpu.memory_space<vmem>> -> memref<1x80xi32, #tpu.memory_space<vmem>>
        %dma_start3A_473 = tpu.memref_squeeze %dma_start3A_472 : memref<1x80xi32, #tpu.memory_space<vmem>> -> memref<80xi32, #tpu.memory_space<vmem>>
        %dma_start3A_474 = tpu.memref_slice %arg5[%add3A_451] : memref<320000xi32, #tpu.memory_space<hbm>> -> memref<80xi32, #tpu.memory_space<hbm>>
        %dma_start3A_475 = arith.constant 0 : i32
        %dma_start3A_476 = tpu.memref_slice %arg10[%dma_start3A_470, %dma_start3A_475] : memref<2x80xi32, #tpu.memory_space<vmem>> -> memref<1x80xi32, #tpu.memory_space<vmem>>
        %dma_start3A_477 = tpu.memref_squeeze %dma_start3A_476 : memref<1x80xi32, #tpu.memory_space<vmem>> -> memref<80xi32, #tpu.memory_space<vmem>>
        %dma_start3A_478 = tpu.memref_slice %arg5[%add3A_451] : memref<320000xi32, #tpu.memory_space<hbm>> -> memref<80xi32, #tpu.memory_space<hbm>>
        tpu.enqueue_dma source(%dma_start3A_478 : memref<80xi32, #tpu.memory_space<hbm>>) target(%dma_start3A_477 : memref<80xi32, #tpu.memory_space<vmem>>) target_semaphore(%arg15 : memref<!tpu.dma_semaphore, #tpu.memory_space<semaphore_mem>>)
      } else {
      }
      %get3A_350 = arith.constant 1 : i32
      %get3A_351 = arith.index_cast %get3A_350 : i32 to index
      %get3A_352 = arith.constant 0 : index
      %get3A_353 = tpu.vector_load %arg9[%get3A_351, %get3A_352] {strides = array<i32>} : memref<2x80xi32, #tpu.memory_space<vmem>>, vector<1x16xi32>,
      %get3A_354 = vector.shape_cast %get3A_353 : vector<1x16xi32> to vector<16xi32>
      %mul3A_355 = arith.constant 10000 : i32
      %mul3A_356 = vector.broadcast %mul3A_355 : i32 to vector<16xi32>
      %mul3A_357 = arith.muli %get3A_354, %mul3A_356 : vector<16xi32>
      %get3A_358 = arith.constant 1 : i32
      %get3A_359 = arith.index_cast %get3A_358 : i32 to index
      %get3A_360 = arith.constant 0 : index
      %get3A_361 = tpu.vector_load %arg8[%get3A_359, %get3A_360] {strides = array<i32>} : memref<2x80xi32, #tpu.memory_space<vmem>>, vector<1x16xi32>,
      %get3A_362 = vector.shape_cast %get3A_361 : vector<1x16xi32> to vector<16xi32>
      %add3A_363 = arith.addi %mul3A_357, %get3A_362 : vector<16xi32>
      %swap3A_364 = arith.constant 0 : index
      %swap3A_365 = tpu.vector_load %arg11[%swap3A_364] {strides = array<i32>} : memref<80xi32, #tpu.memory_space<vmem>>, vector<16xi32>,
      %swap3A_366 = vector.shape_cast %swap3A_365 : vector<16xi32> to vector<16xi32>
      %swap3A_367 = vector.shape_cast %add3A_363 : vector<16xi32> to vector<16xi32>
      tpu.vector_store %arg11[%swap3A_364], %swap3A_367 {strides = array<i32>} : memref<80xi32, #tpu.memory_space<vmem>>, vector<16xi32>,
      %get3A_368 = arith.constant 1 : i32
      %get3A_369 = arith.index_cast %get3A_368 : i32 to index
      %get3A_370 = arith.constant 16 : index
      %get3A_371 = tpu.vector_load %arg9[%get3A_369, %get3A_370] {strides = array<i32>} : memref<2x80xi32, #tpu.memory_space<vmem>>, vector<1x16xi32>,
      %get3A_372 = vector.shape_cast %get3A_371 : vector<1x16xi32> to vector<16xi32>
      %mul3A_373 = arith.constant 10000 : i32
      %mul3A_374 = vector.broadcast %mul3A_373 : i32 to vector<16xi32>
      %mul3A_375 = arith.muli %get3A_372, %mul3A_374 : vector<16xi32>
      %get3A_376 = arith.constant 1 : i32
      %get3A_377 = arith.index_cast %get3A_376 : i32 to index
      %get3A_378 = arith.constant 16 : index
      %get3A_379 = tpu.vector_load %arg8[%get3A_377, %get3A_378] {strides = array<i32>} : memref<2x80xi32, #tpu.memory_space<vmem>>, vector<1x16xi32>,
      %get3A_380 = vector.shape_cast %get3A_379 : vector<1x16xi32> to vector<16xi32>
      %add3A_381 = arith.addi %mul3A_375, %get3A_380 : vector<16xi32>
      %swap3A_382 = arith.constant 16 : index
      %swap3A_383 = tpu.vector_load %arg11[%swap3A_382] {strides = array<i32>} : memref<80xi32, #tpu.memory_space<vmem>>, vector<16xi32>,
      %swap3A_384 = vector.shape_cast %swap3A_383 : vector<16xi32> to vector<16xi32>
      %swap3A_385 = vector.shape_cast %add3A_381 : vector<16xi32> to vector<16xi32>
      tpu.vector_store %arg11[%swap3A_382], %swap3A_385 {strides = array<i32>} : memref<80xi32, #tpu.memory_space<vmem>>, vector<16xi32>,
      %get3A_386 = arith.constant 1 : i32
      %get3A_387 = arith.index_cast %get3A_386 : i32 to index
      %get3A_388 = arith.constant 32 : index
      %get3A_389 = tpu.vector_load %arg9[%get3A_387, %get3A_388] {strides = array<i32>} : memref<2x80xi32, #tpu.memory_space<vmem>>, vector<1x16xi32>,
      %get3A_390 = vector.shape_cast %get3A_389 : vector<1x16xi32> to vector<16xi32>
      %mul3A_391 = arith.constant 10000 : i32
      %mul3A_392 = vector.broadcast %mul3A_391 : i32 to vector<16xi32>
      %mul3A_393 = arith.muli %get3A_390, %mul3A_392 : vector<16xi32>
      %get3A_394 = arith.constant 1 : i32
      %get3A_395 = arith.index_cast %get3A_394 : i32 to index
      %get3A_396 = arith.constant 32 : index
      %get3A_397 = tpu.vector_load %arg8[%get3A_395, %get3A_396] {strides = array<i32>} : memref<2x80xi32, #tpu.memory_space<vmem>>, vector<1x16xi32>,
      %get3A_398 = vector.shape_cast %get3A_397 : vector<1x16xi32> to vector<16xi32>
      %add3A_399 = arith.addi %mul3A_393, %get3A_398 : vector<16xi32>
      %swap3A_400 = arith.constant 32 : index
      %swap3A_401 = tpu.vector_load %arg11[%swap3A_400] {strides = array<i32>} : memref<80xi32, #tpu.memory_space<vmem>>, vector<16xi32>,
      %swap3A_402 = vector.shape_cast %swap3A_401 : vector<16xi32> to vector<16xi32>
      %swap3A_403 = vector.shape_cast %add3A_399 : vector<16xi32> to vector<16xi32>
      tpu.vector_store %arg11[%swap3A_400], %swap3A_403 {strides = array<i32>} : memref<80xi32, #tpu.memory_space<vmem>>, vector<16xi32>,
      %get3A_404 = arith.constant 1 : i32
      %get3A_405 = arith.index_cast %get3A_404 : i32 to index
      %get3A_406 = arith.constant 48 : index
      %get3A_407 = tpu.vector_load %arg9[%get3A_405, %get3A_406] {strides = array<i32>} : memref<2x80xi32, #tpu.memory_space<vmem>>, vector<1x16xi32>,
      %get3A_408 = vector.shape_cast %get3A_407 : vector<1x16xi32> to vector<16xi32>
      %mul3A_409 = arith.constant 10000 : i32
      %mul3A_410 = vector.broadcast %mul3A_409 : i32 to vector<16xi32>
      %mul3A_411 = arith.muli %get3A_408, %mul3A_410 : vector<16xi32>
      %get3A_412 = arith.constant 1 : i32
      %get3A_413 = arith.index_cast %get3A_412 : i32 to index
      %get3A_414 = arith.constant 48 : index
      %get3A_415 = tpu.vector_load %arg8[%get3A_413, %get3A_414] {strides = array<i32>} : memref<2x80xi32, #tpu.memory_space<vmem>>, vector<1x16xi32>,
      %get3A_416 = vector.shape_cast %get3A_415 : vector<1x16xi32> to vector<16xi32>
      %add3A_417 = arith.addi %mul3A_411, %get3A_416 : vector<16xi32>
      %swap3A_418 = arith.constant 48 : index
      %swap3A_419 = tpu.vector_load %arg11[%swap3A_418] {strides = array<i32>} : memref<80xi32, #tpu.memory_space<vmem>>, vector<16xi32>,
      %swap3A_420 = vector.shape_cast %swap3A_419 : vector<16xi32> to vector<16xi32>
      %swap3A_421 = vector.shape_cast %add3A_417 : vector<16xi32> to vector<16xi32>
      tpu.vector_store %arg11[%swap3A_418], %swap3A_421 {strides = array<i32>} : memref<80xi32, #tpu.memory_space<vmem>>, vector<16xi32>,
      %get3A_422 = arith.constant 1 : i32
      %get3A_423 = arith.index_cast %get3A_422 : i32 to index
      %get3A_424 = arith.constant 64 : index
      %get3A_425 = tpu.vector_load %arg9[%get3A_423, %get3A_424] {strides = array<i32>} : memref<2x80xi32, #tpu.memory_space<vmem>>, vector<1x16xi32>,
      %get3A_426 = vector.shape_cast %get3A_425 : vector<1x16xi32> to vector<16xi32>
      %mul3A_427 = arith.constant 10000 : i32
      %mul3A_428 = vector.broadcast %mul3A_427 : i32 to vector<16xi32>
      %mul3A_429 = arith.muli %get3A_426, %mul3A_428 : vector<16xi32>
      %get3A_430 = arith.constant 1 : i32
      %get3A_431 = arith.index_cast %get3A_430 : i32 to index
      %get3A_432 = arith.constant 64 : index
      %get3A_433 = tpu.vector_load %arg8[%get3A_431, %get3A_432] {strides = array<i32>} : memref<2x80xi32, #tpu.memory_space<vmem>>, vector<1x16xi32>,
      %get3A_434 = vector.shape_cast %get3A_433 : vector<1x16xi32> to vector<16xi32>
      %add3A_435 = arith.addi %mul3A_429, %get3A_434 : vector<16xi32>
      %swap3A_436 = arith.constant 64 : index
      %swap3A_437 = tpu.vector_load %arg11[%swap3A_436] {strides = array<i32>} : memref<80xi32, #tpu.memory_space<vmem>>, vector<16xi32>,
      %swap3A_438 = vector.shape_cast %swap3A_437 : vector<16xi32> to vector<16xi32>
      %swap3A_439 = vector.shape_cast %add3A_435 : vector<16xi32> to vector<16xi32>
      tpu.vector_store %arg11[%swap3A_436], %swap3A_439 {strides = array<i32>} : memref<80xi32, #tpu.memory_space<vmem>>, vector<16xi32>,
      %dma_start3A_440 = arith.constant 0 : i32
      %dma_start3A_441 = arith.constant 0 : i32
      %dma_start3A_442 = tpu.memref_slice %arg2[%dma_start3A_440, %dma_start3A_441] : memref<80000x128xf32, #tpu.memory_space<hbm>> -> memref<80000x128xf32, #tpu.memory_space<hbm>>
      tpu.enqueue_indirect_dma source(%dma_start3A_442 : memref<80000x128xf32, #tpu.memory_space<hbm>>) target(%arg12 : memref<80x128xf32, #tpu.memory_space<vmem>>) offsets(%arg11 : memref<80xi32, #tpu.memory_space<vmem>>) semaphore(%arg14 : memref<!tpu.dma_semaphore, #tpu.memory_space<semaphore_mem>>)
      %dma_wait3A_443 = arith.constant 0 : i32
      %dma_wait3A_444 = arith.constant 0 : i32
      %dma_wait3A_445 = tpu.memref_slice %arg2[%dma_wait3A_443, %dma_wait3A_444] : memref<80000x128xf32, #tpu.memory_space<hbm>> -> memref<80000x128xf32, #tpu.memory_space<hbm>>
      tpu.wait_indirect_dma semaphore(%arg14 : memref<!tpu.dma_semaphore, #tpu.memory_space<semaphore_mem>>) src(%dma_wait3A_445 : memref<80000x128xf32, #tpu.memory_space<hbm>>) dst(%arg12 : memref<80x128xf32, #tpu.memory_space<vmem>>)
      %run_scoped3A_446 = arith.constant 1 : i32
      "tpu.region"() ({
        %run_scoped3A_447 = tpu.sem_alloc : memref<!tpu.dma_semaphore, #tpu.memory_space<semaphore_mem>>
        %dma_start3A_448 = arith.constant 0 : i32
        %dma_start3A_449 = tpu.memref_slice %arg10[%run_scoped3A_446, %dma_start3A_448] : memref<2x80xi32, #tpu.memory_space<vmem>> -> memref<1x80xi32, #tpu.memory_space<vmem>>
        %dma_start3A_450 = tpu.memref_squeeze %dma_start3A_449 : memref<1x80xi32, #tpu.memory_space<vmem>> -> memref<80xi32, #tpu.memory_space<vmem>>
        %dma_start3A_451 = arith.constant 0 : i32
        %dma_start3A_452 = arith.constant 0 : i32
        %dma_start3A_453 = tpu.memref_slice %arg13[%dma_start3A_451, %dma_start3A_452] : memref<10112x128xf32, #tpu.memory_space<vmem_shared>> -> memref<10112x128xf32, #tpu.memory_space<vmem_shared>>
        tpu.enqueue_indirect_dma source(%arg12 : memref<80x128xf32, #tpu.memory_space<vmem>>) target(%dma_start3A_453 : memref<10112x128xf32, #tpu.memory_space<vmem_shared>>) offsets(%dma_start3A_450 : memref<80xi32, #tpu.memory_space<vmem>>) semaphore(%run_scoped3A_447 : memref<!tpu.dma_semaphore, #tpu.memory_space<semaphore_mem>>) {add = true}
        %dma_wait3A_454 = arith.constant 0 : i32
        %dma_wait3A_455 = tpu.memref_slice %arg10[%run_scoped3A_446, %dma_wait3A_454] : memref<2x80xi32, #tpu.memory_space<vmem>> -> memref<1x80xi32, #tpu.memory_space<vmem>>
        %dma_wait3A_456 = tpu.memref_squeeze %dma_wait3A_455 : memref<1x80xi32, #tpu.memory_space<vmem>> -> memref<80xi32, #tpu.memory_space<vmem>>
        %dma_wait3A_457 = arith.constant 0 : i32
        %dma_wait3A_458 = arith.constant 0 : i32
        %dma_wait3A_459 = tpu.memref_slice %arg13[%dma_wait3A_457, %dma_wait3A_458] : memref<10112x128xf32, #tpu.memory_space<vmem_shared>> -> memref<10112x128xf32, #tpu.memory_space<vmem_shared>>
        tpu.wait_indirect_dma semaphore(%run_scoped3A_447 : memref<!tpu.dma_semaphore, #tpu.memory_space<semaphore_mem>>) src(%arg12 : memref<80x128xf32, #tpu.memory_space<vmem>>) dst(%dma_wait3A_459 : memref<10112x128xf32, #tpu.memory_space<vmem_shared>>)
        tpu.yield
      }) : () -> ()
    }
    %scan3A_37 = arith.constant 62 : i32
    %dma_wait3A = arith.constant 0 : i32
    %dma_wait3A_38 = arith.constant 0 : i32
    %dma_wait3A_39 = tpu.memref_slice %arg8[%dma_wait3A, %dma_wait3A_38] : memref<2x80xi32, #tpu.memory_space<vmem>> -> memref<1x80xi32, #tpu.memory_space<vmem>>
    %dma_wait3A_40 = tpu.memref_squeeze %dma_wait3A_39 : memref<1x80xi32, #tpu.memory_space<vmem>> -> memref<80xi32, #tpu.memory_space<vmem>>
    %dma_wait3A_41 = arith.constant 0 : i32
    %dma_wait3A_42 = tpu.memref_slice %arg3[%dma_wait3A_41] : memref<320000xi32, #tpu.memory_space<hbm>> -> memref<80xi32, #tpu.memory_space<hbm>>
    %dma_wait3A_43 = arith.constant 0 : i32
    %dma_wait3A_44 = tpu.memref_slice %arg8[%dma_wait3A, %dma_wait3A_43] : memref<2x80xi32, #tpu.memory_space<vmem>> -> memref<1x80xi32, #tpu.memory_space<vmem>>
    %dma_wait3A_45 = tpu.memref_squeeze %dma_wait3A_44 : memref<1x80xi32, #tpu.memory_space<vmem>> -> memref<80xi32, #tpu.memory_space<vmem>>
    %dma_wait3A_46 = arith.constant 0 : i32
    %dma_wait3A_47 = tpu.memref_slice %arg3[%dma_wait3A_46] : memref<320000xi32, #tpu.memory_space<hbm>> -> memref<80xi32, #tpu.memory_space<hbm>>
    tpu.wait_dma2 semaphore(%arg15 : memref<!tpu.dma_semaphore, #tpu.memory_space<semaphore_mem>>) src(%dma_wait3A_47 : memref<80xi32, #tpu.memory_space<hbm>>) dst(%dma_wait3A_45 : memref<80xi32, #tpu.memory_space<vmem>>)
    %dma_wait3A_48 = arith.constant 0 : i32
    %dma_wait3A_49 = arith.constant 0 : i32
    %dma_wait3A_50 = tpu.memref_slice %arg9[%dma_wait3A_48, %dma_wait3A_49] : memref<2x80xi32, #tpu.memory_space<vmem>> -> memref<1x80xi32, #tpu.memory_space<vmem>>
    %dma_wait3A_51 = tpu.memref_squeeze %dma_wait3A_50 : memref<1x80xi32, #tpu.memory_space<vmem>> -> memref<80xi32, #tpu.memory_space<vmem>>
    %dma_wait3A_52 = arith.constant 0 : i32
    %dma_wait3A_53 = tpu.memref_slice %arg4[%dma_wait3A_52] : memref<320000xi32, #tpu.memory_space<hbm>> -> memref<80xi32, #tpu.memory_space<hbm>>
    %dma_wait3A_54 = arith.constant 0 : i32
    %dma_wait3A_55 = tpu.memref_slice %arg9[%dma_wait3A_48, %dma_wait3A_54] : memref<2x80xi32, #tpu.memory_space<vmem>> -> memref<1x80xi32, #tpu.memory_space<vmem>>
    %dma_wait3A_56 = tpu.memref_squeeze %dma_wait3A_55 : memref<1x80xi32, #tpu.memory_space<vmem>> -> memref<80xi32, #tpu.memory_space<vmem>>
    %dma_wait3A_57 = arith.constant 0 : i32
    %dma_wait3A_58 = tpu.memref_slice %arg4[%dma_wait3A_57] : memref<320000xi32, #tpu.memory_space<hbm>> -> memref<80xi32, #tpu.memory_space<hbm>>
    tpu.wait_dma2 semaphore(%arg15 : memref<!tpu.dma_semaphore, #tpu.memory_space<semaphore_mem>>) src(%dma_wait3A_58 : memref<80xi32, #tpu.memory_space<hbm>>) dst(%dma_wait3A_56 : memref<80xi32, #tpu.memory_space<vmem>>)
    %dma_wait3A_59 = arith.constant 0 : i32
    %dma_wait3A_60 = arith.constant 0 : i32
    %dma_wait3A_61 = tpu.memref_slice %arg10[%dma_wait3A_59, %dma_wait3A_60] : memref<2x80xi32, #tpu.memory_space<vmem>> -> memref<1x80xi32, #tpu.memory_space<vmem>>
    %dma_wait3A_62 = tpu.memref_squeeze %dma_wait3A_61 : memref<1x80xi32, #tpu.memory_space<vmem>> -> memref<80xi32, #tpu.memory_space<vmem>>
    %dma_wait3A_63 = arith.constant 0 : i32
    %dma_wait3A_64 = tpu.memref_slice %arg5[%dma_wait3A_63] : memref<320000xi32, #tpu.memory_space<hbm>> -> memref<80xi32, #tpu.memory_space<hbm>>
    %dma_wait3A_65 = arith.constant 0 : i32
    %dma_wait3A_66 = tpu.memref_slice %arg10[%dma_wait3A_59, %dma_wait3A_65] : memref<2x80xi32, #tpu.memory_space<vmem>> -> memref<1x80xi32, #tpu.memory_space<vmem>>
    %dma_wait3A_67 = tpu.memref_squeeze %dma_wait3A_66 : memref<1x80xi32, #tpu.memory_space<vmem>> -> memref<80xi32, #tpu.memory_space<vmem>>
    %dma_wait3A_68 = arith.constant 0 : i32
    %dma_wait3A_69 = tpu.memref_slice %arg5[%dma_wait3A_68] : memref<320000xi32, #tpu.memory_space<hbm>> -> memref<80xi32, #tpu.memory_space<hbm>>
    tpu.wait_dma2 semaphore(%arg15 : memref<!tpu.dma_semaphore, #tpu.memory_space<semaphore_mem>>) src(%dma_wait3A_69 : memref<80xi32, #tpu.memory_space<hbm>>) dst(%dma_wait3A_67 : memref<80xi32, #tpu.memory_space<vmem>>)
    %get3A = arith.constant 0 : i32
    %get3A_70 = arith.index_cast %get3A : i32 to index
    %get3A_71 = arith.constant 0 : index
    %get3A_72 = tpu.vector_load %arg9[%get3A_70, %get3A_71] {strides = array<i32>} : memref<2x80xi32, #tpu.memory_space<vmem>>, vector<1x16xi32>,
    %get3A_73 = vector.shape_cast %get3A_72 : vector<1x16xi32> to vector<16xi32>
    %mul3A_74 = arith.constant 10000 : i32
    %mul3A_75 = vector.broadcast %mul3A_74 : i32 to vector<16xi32>
    %mul3A_76 = arith.muli %get3A_73, %mul3A_75 : vector<16xi32>
    %get3A_77 = arith.constant 0 : i32
    %get3A_78 = arith.index_cast %get3A_77 : i32 to index
    %get3A_79 = arith.constant 0 : index
    %get3A_80 = tpu.vector_load %arg8[%get3A_78, %get3A_79] {strides = array<i32>} : memref<2x80xi32, #tpu.memory_space<vmem>>, vector<1x16xi32>,
    %get3A_81 = vector.shape_cast %get3A_80 : vector<1x16xi32> to vector<16xi32>
    %add3A_82 = arith.addi %mul3A_76, %get3A_81 : vector<16xi32>
    %swap3A = arith.constant 0 : index
    %swap3A_83 = tpu.vector_load %arg11[%swap3A] {strides = array<i32>} : memref<80xi32, #tpu.memory_space<vmem>>, vector<16xi32>,
    %swap3A_84 = vector.shape_cast %swap3A_83 : vector<16xi32> to vector<16xi32>
    %swap3A_85 = vector.shape_cast %add3A_82 : vector<16xi32> to vector<16xi32>
    tpu.vector_store %arg11[%swap3A], %swap3A_85 {strides = array<i32>} : memref<80xi32, #tpu.memory_space<vmem>>, vector<16xi32>,
    %get3A_86 = arith.constant 0 : i32
    %get3A_87 = arith.index_cast %get3A_86 : i32 to index
    %get3A_88 = arith.constant 16 : index
    %get3A_89 = tpu.vector_load %arg9[%get3A_87, %get3A_88] {strides = array<i32>} : memref<2x80xi32, #tpu.memory_space<vmem>>, vector<1x16xi32>,
    %get3A_90 = vector.shape_cast %get3A_89 : vector<1x16xi32> to vector<16xi32>
    %mul3A_91 = arith.constant 10000 : i32
    %mul3A_92 = vector.broadcast %mul3A_91 : i32 to vector<16xi32>
    %mul3A_93 = arith.muli %get3A_90, %mul3A_92 : vector<16xi32>
    %get3A_94 = arith.constant 0 : i32
    %get3A_95 = arith.index_cast %get3A_94 : i32 to index
    %get3A_96 = arith.constant 16 : index
    %get3A_97 = tpu.vector_load %arg8[%get3A_95, %get3A_96] {strides = array<i32>} : memref<2x80xi32, #tpu.memory_space<vmem>>, vector<1x16xi32>,
    %get3A_98 = vector.shape_cast %get3A_97 : vector<1x16xi32> to vector<16xi32>
    %add3A_99 = arith.addi %mul3A_93, %get3A_98 : vector<16xi32>
    %swap3A_100 = arith.constant 16 : index
    %swap3A_101 = tpu.vector_load %arg11[%swap3A_100] {strides = array<i32>} : memref<80xi32, #tpu.memory_space<vmem>>, vector<16xi32>,
    %swap3A_102 = vector.shape_cast %swap3A_101 : vector<16xi32> to vector<16xi32>
    %swap3A_103 = vector.shape_cast %add3A_99 : vector<16xi32> to vector<16xi32>
    tpu.vector_store %arg11[%swap3A_100], %swap3A_103 {strides = array<i32>} : memref<80xi32, #tpu.memory_space<vmem>>, vector<16xi32>,
    %get3A_104 = arith.constant 0 : i32
    %get3A_105 = arith.index_cast %get3A_104 : i32 to index
    %get3A_106 = arith.constant 32 : index
    %get3A_107 = tpu.vector_load %arg9[%get3A_105, %get3A_106] {strides = array<i32>} : memref<2x80xi32, #tpu.memory_space<vmem>>, vector<1x16xi32>,
    %get3A_108 = vector.shape_cast %get3A_107 : vector<1x16xi32> to vector<16xi32>
    %mul3A_109 = arith.constant 10000 : i32
    %mul3A_110 = vector.broadcast %mul3A_109 : i32 to vector<16xi32>
    %mul3A_111 = arith.muli %get3A_108, %mul3A_110 : vector<16xi32>
    %get3A_112 = arith.constant 0 : i32
    %get3A_113 = arith.index_cast %get3A_112 : i32 to index
    %get3A_114 = arith.constant 32 : index
    %get3A_115 = tpu.vector_load %arg8[%get3A_113, %get3A_114] {strides = array<i32>} : memref<2x80xi32, #tpu.memory_space<vmem>>, vector<1x16xi32>,
    %get3A_116 = vector.shape_cast %get3A_115 : vector<1x16xi32> to vector<16xi32>
    %add3A_117 = arith.addi %mul3A_111, %get3A_116 : vector<16xi32>
    %swap3A_118 = arith.constant 32 : index
    %swap3A_119 = tpu.vector_load %arg11[%swap3A_118] {strides = array<i32>} : memref<80xi32, #tpu.memory_space<vmem>>, vector<16xi32>,
    %swap3A_120 = vector.shape_cast %swap3A_119 : vector<16xi32> to vector<16xi32>
    %swap3A_121 = vector.shape_cast %add3A_117 : vector<16xi32> to vector<16xi32>
    tpu.vector_store %arg11[%swap3A_118], %swap3A_121 {strides = array<i32>} : memref<80xi32, #tpu.memory_space<vmem>>, vector<16xi32>,
    %get3A_122 = arith.constant 0 : i32
    %get3A_123 = arith.index_cast %get3A_122 : i32 to index
    %get3A_124 = arith.constant 48 : index
    %get3A_125 = tpu.vector_load %arg9[%get3A_123, %get3A_124] {strides = array<i32>} : memref<2x80xi32, #tpu.memory_space<vmem>>, vector<1x16xi32>,
    %get3A_126 = vector.shape_cast %get3A_125 : vector<1x16xi32> to vector<16xi32>
    %mul3A_127 = arith.constant 10000 : i32
    %mul3A_128 = vector.broadcast %mul3A_127 : i32 to vector<16xi32>
    %mul3A_129 = arith.muli %get3A_126, %mul3A_128 : vector<16xi32>
    %get3A_130 = arith.constant 0 : i32
    %get3A_131 = arith.index_cast %get3A_130 : i32 to index
    %get3A_132 = arith.constant 48 : index
    %get3A_133 = tpu.vector_load %arg8[%get3A_131, %get3A_132] {strides = array<i32>} : memref<2x80xi32, #tpu.memory_space<vmem>>, vector<1x16xi32>,
    %get3A_134 = vector.shape_cast %get3A_133 : vector<1x16xi32> to vector<16xi32>
    %add3A_135 = arith.addi %mul3A_129, %get3A_134 : vector<16xi32>
    %swap3A_136 = arith.constant 48 : index
    %swap3A_137 = tpu.vector_load %arg11[%swap3A_136] {strides = array<i32>} : memref<80xi32, #tpu.memory_space<vmem>>, vector<16xi32>,
    %swap3A_138 = vector.shape_cast %swap3A_137 : vector<16xi32> to vector<16xi32>
    %swap3A_139 = vector.shape_cast %add3A_135 : vector<16xi32> to vector<16xi32>
    tpu.vector_store %arg11[%swap3A_136], %swap3A_139 {strides = array<i32>} : memref<80xi32, #tpu.memory_space<vmem>>, vector<16xi32>,
    %get3A_140 = arith.constant 0 : i32
    %get3A_141 = arith.index_cast %get3A_140 : i32 to index
    %get3A_142 = arith.constant 64 : index
    %get3A_143 = tpu.vector_load %arg9[%get3A_141, %get3A_142] {strides = array<i32>} : memref<2x80xi32, #tpu.memory_space<vmem>>, vector<1x16xi32>,
    %get3A_144 = vector.shape_cast %get3A_143 : vector<1x16xi32> to vector<16xi32>
    %mul3A_145 = arith.constant 10000 : i32
    %mul3A_146 = vector.broadcast %mul3A_145 : i32 to vector<16xi32>
    %mul3A_147 = arith.muli %get3A_144, %mul3A_146 : vector<16xi32>
    %get3A_148 = arith.constant 0 : i32
    %get3A_149 = arith.index_cast %get3A_148 : i32 to index
    %get3A_150 = arith.constant 64 : index
    %get3A_151 = tpu.vector_load %arg8[%get3A_149, %get3A_150] {strides = array<i32>} : memref<2x80xi32, #tpu.memory_space<vmem>>, vector<1x16xi32>,
    %get3A_152 = vector.shape_cast %get3A_151 : vector<1x16xi32> to vector<16xi32>
    %add3A_153 = arith.addi %mul3A_147, %get3A_152 : vector<16xi32>
    %swap3A_154 = arith.constant 64 : index
    %swap3A_155 = tpu.vector_load %arg11[%swap3A_154] {strides = array<i32>} : memref<80xi32, #tpu.memory_space<vmem>>, vector<16xi32>,
    %swap3A_156 = vector.shape_cast %swap3A_155 : vector<16xi32> to vector<16xi32>
    %swap3A_157 = vector.shape_cast %add3A_153 : vector<16xi32> to vector<16xi32>
    tpu.vector_store %arg11[%swap3A_154], %swap3A_157 {strides = array<i32>} : memref<80xi32, #tpu.memory_space<vmem>>, vector<16xi32>,
    %dma_start3A_158 = arith.constant 0 : i32
    %dma_start3A_159 = arith.constant 0 : i32
    %dma_start3A_160 = tpu.memref_slice %arg2[%dma_start3A_158, %dma_start3A_159] : memref<80000x128xf32, #tpu.memory_space<hbm>> -> memref<80000x128xf32, #tpu.memory_space<hbm>>
    tpu.enqueue_indirect_dma source(%dma_start3A_160 : memref<80000x128xf32, #tpu.memory_space<hbm>>) target(%arg12 : memref<80x128xf32, #tpu.memory_space<vmem>>) offsets(%arg11 : memref<80xi32, #tpu.memory_space<vmem>>) semaphore(%arg14 : memref<!tpu.dma_semaphore, #tpu.memory_space<semaphore_mem>>)
    %dma_wait3A_161 = arith.constant 0 : i32
    %dma_wait3A_162 = arith.constant 0 : i32
    %dma_wait3A_163 = tpu.memref_slice %arg2[%dma_wait3A_161, %dma_wait3A_162] : memref<80000x128xf32, #tpu.memory_space<hbm>> -> memref<80000x128xf32, #tpu.memory_space<hbm>>
    tpu.wait_indirect_dma semaphore(%arg14 : memref<!tpu.dma_semaphore, #tpu.memory_space<semaphore_mem>>) src(%dma_wait3A_163 : memref<80000x128xf32, #tpu.memory_space<hbm>>) dst(%arg12 : memref<80x128xf32, #tpu.memory_space<vmem>>)
    %run_scoped3A = arith.constant 0 : i32
    "tpu.region"() ({
      %run_scoped3A_169 = tpu.sem_alloc : memref<!tpu.dma_semaphore, #tpu.memory_space<semaphore_mem>>
      %dma_start3A_170 = arith.constant 0 : i32
      %dma_start3A_171 = tpu.memref_slice %arg10[%run_scoped3A, %dma_start3A_170] : memref<2x80xi32, #tpu.memory_space<vmem>> -> memref<1x80xi32, #tpu.memory_space<vmem>>
      %dma_start3A_172 = tpu.memref_squeeze %dma_start3A_171 : memref<1x80xi32, #tpu.memory_space<vmem>> -> memref<80xi32, #tpu.memory_space<vmem>>
      %dma_start3A_173 = arith.constant 0 : i32
      %dma_start3A_174 = arith.constant 0 : i32
      %dma_start3A_175 = tpu.memref_slice %arg13[%dma_start3A_173, %dma_start3A_174] : memref<10112x128xf32, #tpu.memory_space<vmem_shared>> -> memref<10112x128xf32, #tpu.memory_space<vmem_shared>>
      tpu.enqueue_indirect_dma source(%arg12 : memref<80x128xf32, #tpu.memory_space<vmem>>) target(%dma_start3A_175 : memref<10112x128xf32, #tpu.memory_space<vmem_shared>>) offsets(%dma_start3A_172 : memref<80xi32, #tpu.memory_space<vmem>>) semaphore(%run_scoped3A_169 : memref<!tpu.dma_semaphore, #tpu.memory_space<semaphore_mem>>) {add = true}
      %dma_wait3A_176 = arith.constant 0 : i32
      %dma_wait3A_177 = tpu.memref_slice %arg10[%run_scoped3A, %dma_wait3A_176] : memref<2x80xi32, #tpu.memory_space<vmem>> -> memref<1x80xi32, #tpu.memory_space<vmem>>
      %dma_wait3A_178 = tpu.memref_squeeze %dma_wait3A_177 : memref<1x80xi32, #tpu.memory_space<vmem>> -> memref<80xi32, #tpu.memory_space<vmem>>
      %dma_wait3A_179 = arith.constant 0 : i32
      %dma_wait3A_180 = arith.constant 0 : i32
      %dma_wait3A_181 = tpu.memref_slice %arg13[%dma_wait3A_179, %dma_wait3A_180] : memref<10112x128xf32, #tpu.memory_space<vmem_shared>> -> memref<10112x128xf32, #tpu.memory_space<vmem_shared>>
      tpu.wait_indirect_dma semaphore(%run_scoped3A_169 : memref<!tpu.dma_semaphore, #tpu.memory_space<semaphore_mem>>) src(%arg12 : memref<80x128xf32, #tpu.memory_space<vmem>>) dst(%dma_wait3A_181 : memref<10112x128xf32, #tpu.memory_space<vmem_shared>>)
      tpu.yield
    }) : () -> ()
    %barrier3A_164 = arith.constant 0 : index
    tpu.barrier barrier_id(%barrier3A_164)
    %mul3A_165 = arith.constant 632 : i32
    %mul3A_166 = arith.muli %arg1, %mul3A_165 : i32
    %mul3A_167 = arith.constant 632 : i32
    %mul3A_168 = arith.muli %arg1, %mul3A_167 : i32
    "tpu.region"() ({
      %run_scoped3A_169 = tpu.sem_alloc : memref<!tpu.dma_semaphore, #tpu.memory_space<semaphore_mem>>
      %dma_start3A_170 = arith.constant 0 : i32
      %dma_start3A_171 = tpu.memref_slice %arg7[%arg0, %mul3A_168, %dma_start3A_170] : memref<2x10112x128xf32, #tpu.memory_space<hbm>> -> memref<1x632x128xf32, #tpu.memory_space<hbm>>
      %dma_start3A_172 = tpu.memref_squeeze %dma_start3A_171 : memref<1x632x128xf32, #tpu.memory_space<hbm>> -> memref<632x128xf32, #tpu.memory_space<hbm>>
      %dma_start3A_173 = arith.constant 0 : i32
      %dma_start3A_174 = tpu.memref_slice %arg13[%mul3A_166, %dma_start3A_173] : memref<10112x128xf32, #tpu.memory_space<vmem_shared>> -> memref<632x128xf32, #tpu.memory_space<vmem_shared>>
      tpu.enqueue_dma source(%dma_start3A_174 : memref<632x128xf32, #tpu.memory_space<vmem_shared>>) target(%dma_start3A_172 : memref<632x128xf32, #tpu.memory_space<hbm>>) target_semaphore(%run_scoped3A_169 : memref<!tpu.dma_semaphore, #tpu.memory_space<semaphore_mem>>)
      %dma_wait3A_175 = arith.constant 0 : i32
      %dma_wait3A_176 = tpu.memref_slice %arg7[%arg0, %mul3A_168, %dma_wait3A_175] : memref<2x10112x128xf32, #tpu.memory_space<hbm>> -> memref<1x632x128xf32, #tpu.memory_space<hbm>>
      %dma_wait3A_177 = tpu.memref_squeeze %dma_wait3A_176 : memref<1x632x128xf32, #tpu.memory_space<hbm>> -> memref<632x128xf32, #tpu.memory_space<hbm>>
      %dma_wait3A_178 = arith.constant 0 : i32
      %dma_wait3A_179 = tpu.memref_slice %arg13[%mul3A_166, %dma_wait3A_178] : memref<10112x128xf32, #tpu.memory_space<vmem_shared>> -> memref<632x128xf32, #tpu.memory_space<vmem_shared>>
      tpu.wait_dma2 semaphore(%run_scoped3A_169 : memref<!tpu.dma_semaphore, #tpu.memory_space<semaphore_mem>>) src(%dma_wait3A_179 : memref<632x128xf32, #tpu.memory_space<vmem_shared>>) dst(%dma_wait3A_177 : memref<632x128xf32, #tpu.memory_space<hbm>>)
      tpu.yield
    }) : () -> ()
    return
  }
}

module attributes {stable_mosaic.version = 14 : i64} {
  func.func @_fuse_body(%arg0: i32, %arg1: memref<2x1000x128xf32, #tpu.memory_space<vmem>>, %arg2: memref<1000x128xf32, #tpu.memory_space<vmem>>, %arg3: memref<128x128xf32, #tpu.memory_space<vmem>>, %arg4: memref<128x128xf32, #tpu.memory_space<vmem>>, %arg5: memref<1x128xf32, #tpu.memory_space<vmem>>, %arg6: memref<1x128xf32, #tpu.memory_space<vmem>>, %arg7: memref<1000x128xf32, #tpu.memory_space<vmem>>, %arg8: memref<2x128xf32, #tpu.memory_space<vmem>>, %arg9: memref<2x128xf32, #tpu.memory_space<vmem>>) attributes {dimension_semantics = [#tpu.dimension_semantics<arbitrary>], iteration_bounds = array<i64: 10>, scalar_prefetch = 0 : i64, scratch_operands = 1 : i64, tpu.core_type = #tpu.core_type<tc>, window_params = [{transform_indices = @transform_0, window_bounds = array<i64: 2, 1000, 128>}, {transform_indices = @transform_1, window_bounds = array<i64: 1000, 128>}, {pipeline_mode = #tpu.pipeline_mode<synchronous>, transform_indices = @transform_2, window_bounds = array<i64: 128, 128>}, {pipeline_mode = #tpu.pipeline_mode<synchronous>, transform_indices = @transform_3, window_bounds = array<i64: 128, 128>}, {pipeline_mode = #tpu.pipeline_mode<synchronous>, transform_indices = @transform_4, window_bounds = array<i64: 1, 128>}, {pipeline_mode = #tpu.pipeline_mode<synchronous>, transform_indices = @transform_5, window_bounds = array<i64: 1, 128>}, {transform_indices = @transform_6, window_bounds = array<i64: 1000, 128>}, {pipeline_mode = #tpu.pipeline_mode<synchronous>, transform_indices = @transform_7, window_bounds = array<i64: 2, 128>}]} {
    %get3A = arith.constant 0 : index
    %get3A_0 = arith.constant 0 : index
    %get3A_1 = vector.load %arg2[%get3A, %get3A_0] : memref<1000x128xf32, #tpu.memory_space<vmem>>, vector<1000x128xf32>
    %get3A_2 = arith.constant 0 : index
    %get3A_3 = arith.constant 0 : index
    %get3A_4 = arith.constant 0 : index
    %get3A_5 = vector.load %arg1[%get3A_2, %get3A_3, %get3A_4] : memref<2x1000x128xf32, #tpu.memory_space<vmem>>, vector<1x1000x128xf32>
    %get3A_6 = vector.shape_cast %get3A_5 : vector<1x1000x128xf32> to vector<1000x128xf32>
    %get3A_7 = arith.constant 1 : index
    %get3A_8 = arith.constant 0 : index
    %get3A_9 = arith.constant 0 : index
    %get3A_10 = vector.load %arg1[%get3A_7, %get3A_8, %get3A_9] : memref<2x1000x128xf32, #tpu.memory_space<vmem>>, vector<1x1000x128xf32>
    %get3A_11 = vector.shape_cast %get3A_10 : vector<1x1000x128xf32> to vector<1000x128xf32>
    %add3A = arith.addf %get3A_6, %get3A_11 : vector<1000x128xf32>
    %get3A_12 = arith.constant 0 : index
    %get3A_13 = arith.constant 0 : index
    %get3A_14 = vector.load %arg3[%get3A_12, %get3A_13] : memref<128x128xf32, #tpu.memory_space<vmem>>, vector<128x128xf32>
    %dot_general3A = arith.constant dense<0.000000e+00> : vector<1000x128xf32>
    %dot_general3A_15 = tpu.matmul %get3A_1, %get3A_14, %dot_general3A {dimension_numbers = #tpu.dot_dimension_numbers<[1], [0], [0], [1], [0, 0, 1, 1], [], []>, transpose_lhs_hint = false} : vector<1000x128xf32>, vector<128x128xf32>, vector<1000x128xf32> -> vector<1000x128xf32>
    %get3A_16 = arith.constant 0 : index
    %get3A_17 = arith.constant 0 : index
    %get3A_18 = vector.load %arg4[%get3A_16, %get3A_17] : memref<128x128xf32, #tpu.memory_space<vmem>>, vector<128x128xf32>
    %dot_general3A_19 = arith.constant dense<0.000000e+00> : vector<1000x128xf32>
    %dot_general3A_20 = tpu.matmul %get3A_1, %get3A_18, %dot_general3A_19 {dimension_numbers = #tpu.dot_dimension_numbers<[1], [0], [0], [1], [0, 0, 1, 1], [], []>, transpose_lhs_hint = false} : vector<1000x128xf32>, vector<128x128xf32>, vector<1000x128xf32> -> vector<1000x128xf32>
    %add3A_21 = arith.addf %add3A, %dot_general3A_15 : vector<1000x128xf32>
    %get3A_22 = arith.constant 0 : index
    %get3A_23 = arith.constant 0 : index
    %get3A_24 = vector.load %arg5[%get3A_22, %get3A_23] : memref<1x128xf32, #tpu.memory_space<vmem>>, vector<1x128xf32>
    %add3A_25 = vector.broadcast %get3A_24 : vector<1x128xf32> to vector<1000x128xf32>
    %add3A_26 = arith.addf %add3A_21, %add3A_25 : vector<1000x128xf32>
    %max3A = arith.constant 0.000000e+00 : f32
    %max3A_27 = vector.broadcast %max3A : f32 to vector<1000x128xf32>
    %max3A_28 = arith.maximumf %add3A_26, %max3A_27 : vector<1000x128xf32>
    %get3A_29 = arith.constant 0 : index
    %get3A_30 = arith.constant 0 : index
    %get3A_31 = vector.load %arg6[%get3A_29, %get3A_30] : memref<1x128xf32, #tpu.memory_space<vmem>>, vector<1x128xf32>
    %add3A_32 = vector.broadcast %get3A_31 : vector<1x128xf32> to vector<1000x128xf32>
    %add3A_33 = arith.addf %dot_general3A_20, %add3A_32 : vector<1000x128xf32>
    %max3A_34 = arith.constant 0.000000e+00 : f32
    %max3A_35 = vector.broadcast %max3A_34 : f32 to vector<1000x128xf32>
    %max3A_36 = arith.maximumf %add3A_33, %max3A_35 : vector<1000x128xf32>
    %add3A_37 = arith.addf %max3A_28, %max3A_36 : vector<1000x128xf32>
    %swap3A = arith.constant 0 : index
    %swap3A_38 = arith.constant 0 : index
    %swap3A_39 = vector.load %arg7[%swap3A, %swap3A_38] : memref<1000x128xf32, #tpu.memory_space<vmem>>, vector<1000x128xf32>
    tpu.vector_store %arg7[%swap3A, %swap3A_38], %add3A_37 {strides = array<i32>} : memref<1000x128xf32, #tpu.memory_space<vmem>>, vector<1000x128xf32>,
    %eq3A = arith.constant 0 : i32
    %eq3A_40 = arith.cmpi eq, %arg0, %eq3A : i32
    %convert_element_type3A = arith.extui %eq3A_40 : i1 to i32
    %cond3A = arith.constant 0 : i32
    %cond3A_41 = arith.cmpi ne, %convert_element_type3A, %cond3A : i32
    scf.if %cond3A_41 {
      %broadcast_in_dim3A_65 = arith.constant 0.000000e+00 : f32
      %broadcast_in_dim3A_66 = vector.broadcast %broadcast_in_dim3A_65 : f32 to vector<2x128xf32>
      %swap3A_67 = arith.constant 0 : index
      %swap3A_68 = arith.constant 0 : index
      %swap3A_69 = vector.load %arg9[%swap3A_67, %swap3A_68] : memref<2x128xf32, #tpu.memory_space<vmem>>, vector<2x128xf32>
      tpu.vector_store %arg9[%swap3A_67, %swap3A_68], %broadcast_in_dim3A_66 {strides = array<i32>} : memref<2x128xf32, #tpu.memory_space<vmem>>, vector<2x128xf32>,
    } else {
    }
    %get3A_42 = arith.constant 0 : index
    %get3A_43 = arith.constant 0 : index
    %get3A_44 = vector.load %arg9[%get3A_42, %get3A_43] : memref<2x128xf32, #tpu.memory_space<vmem>>, vector<1x128xf32>
    %reduce_sum3A = arith.constant dense<0.000000e+00> : vector<128xf32>
    %reduce_sum3A_45 = vector.multi_reduction <add>, %add3A_37, %reduce_sum3A [0] : vector<1000x128xf32> to vector<128xf32>
    %broadcast_in_dim3A = vector.shape_cast %reduce_sum3A_45 : vector<128xf32> to vector<1x128xf32>
    %add3A_46 = arith.addf %get3A_44, %broadcast_in_dim3A : vector<1x128xf32>
    %swap3A_47 = arith.constant 0 : index
    %swap3A_48 = arith.constant 0 : index
    %swap3A_49 = vector.load %arg9[%swap3A_47, %swap3A_48] : memref<2x128xf32, #tpu.memory_space<vmem>>, vector<1x128xf32>
    tpu.vector_store %arg9[%swap3A_47, %swap3A_48], %add3A_46 {strides = array<i32>} : memref<2x128xf32, #tpu.memory_space<vmem>>, vector<1x128xf32>,
    %get3A_50 = arith.constant 1 : index
    %get3A_51 = arith.constant 0 : index
    %get3A_52 = vector.load %arg9[%get3A_50, %get3A_51] : memref<2x128xf32, #tpu.memory_space<vmem>>, vector<1x128xf32>
    %mul3A = arith.mulf %add3A_37, %add3A_37 : vector<1000x128xf32>
    %reduce_sum3A_53 = arith.constant dense<0.000000e+00> : vector<128xf32>
    %reduce_sum3A_54 = vector.multi_reduction <add>, %mul3A, %reduce_sum3A_53 [0] : vector<1000x128xf32> to vector<128xf32>
    %broadcast_in_dim3A_55 = vector.shape_cast %reduce_sum3A_54 : vector<128xf32> to vector<1x128xf32>
    %add3A_56 = arith.addf %get3A_52, %broadcast_in_dim3A_55 : vector<1x128xf32>
    %swap3A_57 = arith.constant 1 : index
    %swap3A_58 = arith.constant 0 : index
    %swap3A_59 = vector.load %arg9[%swap3A_57, %swap3A_58] : memref<2x128xf32, #tpu.memory_space<vmem>>, vector<1x128xf32>
    tpu.vector_store %arg9[%swap3A_57, %swap3A_58], %add3A_56 {strides = array<i32>} : memref<2x128xf32, #tpu.memory_space<vmem>>, vector<1x128xf32>,
    %eq3A_60 = arith.constant 9 : i32
    %eq3A_61 = arith.cmpi eq, %arg0, %eq3A_60 : i32
    %convert_element_type3A_62 = arith.extui %eq3A_61 : i1 to i32
    %cond3A_63 = arith.constant 0 : i32
    %cond3A_64 = arith.cmpi ne, %convert_element_type3A_62, %cond3A_63 : i32
    scf.if %cond3A_64 {
      %get3A_65 = arith.constant 0 : index
      %get3A_66 = arith.constant 0 : index
      %get3A_67 = vector.load %arg9[%get3A_65, %get3A_66] : memref<2x128xf32, #tpu.memory_space<vmem>>, vector<2x128xf32>
      %swap3A_68 = arith.constant 0 : index
      %swap3A_69 = arith.constant 0 : index
      %swap3A_70 = vector.load %arg8[%swap3A_68, %swap3A_69] : memref<2x128xf32, #tpu.memory_space<vmem>>, vector<2x128xf32>
      tpu.vector_store %arg8[%swap3A_68, %swap3A_69], %get3A_67 {strides = array<i32>} : memref<2x128xf32, #tpu.memory_space<vmem>>, vector<2x128xf32>,
    } else {
    }
    return
  }
  func.func @transform_0(%arg0: i32) -> (i32, i32, i32) {
    %c0_i32 = arith.constant 0 : i32
    %c0_i32_0 = arith.constant 0 : i32
    %c0_i32_1 = arith.constant 0 : i32
    return %c0_i32, %arg0, %c0_i32_0 : i32, i32, i32
  }
  func.func @transform_1(%arg0: i32) -> (i32, i32) {
    %c0_i32 = arith.constant 0 : i32
    %c0_i32_0 = arith.constant 0 : i32
    return %arg0, %c0_i32 : i32, i32
  }
  func.func @transform_2(%arg0: i32) -> (i32, i32) {
    %c0_i32 = arith.constant 0 : i32
    %c0_i32_0 = arith.constant 0 : i32
    %c0_i32_1 = arith.constant 0 : i32
    return %c0_i32, %c0_i32_0 : i32, i32
  }
  func.func @transform_3(%arg0: i32) -> (i32, i32) {
    %c0_i32 = arith.constant 0 : i32
    %c0_i32_0 = arith.constant 0 : i32
    %c0_i32_1 = arith.constant 0 : i32
    return %c0_i32, %c0_i32_0 : i32, i32
  }
  func.func @transform_4(%arg0: i32) -> (i32, i32) {
    %c0_i32 = arith.constant 0 : i32
    %c0_i32_0 = arith.constant 0 : i32
    %c0_i32_1 = arith.constant 0 : i32
    return %c0_i32, %c0_i32_0 : i32, i32
  }
  func.func @transform_5(%arg0: i32) -> (i32, i32) {
    %c0_i32 = arith.constant 0 : i32
    %c0_i32_0 = arith.constant 0 : i32
    %c0_i32_1 = arith.constant 0 : i32
    return %c0_i32, %c0_i32_0 : i32, i32
  }
  func.func @transform_6(%arg0: i32) -> (i32, i32) {
    %c0_i32 = arith.constant 0 : i32
    %c0_i32_0 = arith.constant 0 : i32
    return %arg0, %c0_i32 : i32, i32
  }
  func.func @transform_7(%arg0: i32) -> (i32, i32) {
    %c0_i32 = arith.constant 0 : i32
    %c0_i32_0 = arith.constant 0 : i32
    %c0_i32_1 = arith.constant 0 : i32
    return %c0_i32, %c0_i32_0 : i32, i32
  }
}

module attributes {stable_mosaic.version = 14 : i64} {
  func.func @_bn_body(%arg0: i32, %arg1: memref<1000x128xf32, #tpu.memory_space<vmem>>, %arg2: memref<2x128xf32, #tpu.memory_space<vmem>>, %arg3: memref<1x128xf32, #tpu.memory_space<vmem>>, %arg4: memref<1x128xf32, #tpu.memory_space<vmem>>, %arg5: memref<1000x128xf32, #tpu.memory_space<vmem>>) attributes {dimension_semantics = [#tpu.dimension_semantics<arbitrary>], iteration_bounds = array<i64: 10>, scalar_prefetch = 0 : i64, scratch_operands = 0 : i64, tpu.core_type = #tpu.core_type<tc>, window_params = [{transform_indices = @transform_0, window_bounds = array<i64: 1000, 128>}, {pipeline_mode = #tpu.pipeline_mode<synchronous>, transform_indices = @transform_1, window_bounds = array<i64: 2, 128>}, {pipeline_mode = #tpu.pipeline_mode<synchronous>, transform_indices = @transform_2, window_bounds = array<i64: 1, 128>}, {pipeline_mode = #tpu.pipeline_mode<synchronous>, transform_indices = @transform_3, window_bounds = array<i64: 1, 128>}, {transform_indices = @transform_4, window_bounds = array<i64: 1000, 128>}]} {
    %get3A = arith.constant 0 : index
    %get3A_0 = arith.constant 0 : index
    %get3A_1 = vector.load %arg2[%get3A, %get3A_0] : memref<2x128xf32, #tpu.memory_space<vmem>>, vector<1x128xf32>
    %mul3A = arith.constant 9.99999974E-5 : f32
    %mul3A_2 = vector.broadcast %mul3A : f32 to vector<1x128xf32>
    %mul3A_3 = arith.mulf %get3A_1, %mul3A_2 : vector<1x128xf32>
    %get3A_4 = arith.constant 1 : index
    %get3A_5 = arith.constant 0 : index
    %get3A_6 = vector.load %arg2[%get3A_4, %get3A_5] : memref<2x128xf32, #tpu.memory_space<vmem>>, vector<1x128xf32>
    %mul3A_7 = arith.constant 9.99999974E-5 : f32
    %mul3A_8 = vector.broadcast %mul3A_7 : f32 to vector<1x128xf32>
    %mul3A_9 = arith.mulf %get3A_6, %mul3A_8 : vector<1x128xf32>
    %mul3A_10 = arith.mulf %mul3A_3, %mul3A_3 : vector<1x128xf32>
    %sub3A = arith.subf %mul3A_9, %mul3A_10 : vector<1x128xf32>
    %get3A_11 = arith.constant 0 : index
    %get3A_12 = arith.constant 0 : index
    %get3A_13 = vector.load %arg3[%get3A_11, %get3A_12] : memref<1x128xf32, #tpu.memory_space<vmem>>, vector<1x128xf32>
    %add3A = arith.constant 9.99999974E-6 : f32
    %add3A_14 = vector.broadcast %add3A : f32 to vector<1x128xf32>
    %add3A_15 = arith.addf %sub3A, %add3A_14 : vector<1x128xf32>
    %rsqrt3A = math.rsqrt %add3A_15 : vector<1x128xf32>
    %mul3A_16 = arith.mulf %get3A_13, %rsqrt3A : vector<1x128xf32>
    %get3A_17 = arith.constant 0 : index
    %get3A_18 = arith.constant 0 : index
    %get3A_19 = vector.load %arg1[%get3A_17, %get3A_18] : memref<1000x128xf32, #tpu.memory_space<vmem>>, vector<1000x128xf32>
    %sub3A_20 = vector.broadcast %mul3A_3 : vector<1x128xf32> to vector<1000x128xf32>
    %sub3A_21 = arith.subf %get3A_19, %sub3A_20 : vector<1000x128xf32>
    %mul3A_22 = vector.broadcast %mul3A_16 : vector<1x128xf32> to vector<1000x128xf32>
    %mul3A_23 = arith.mulf %sub3A_21, %mul3A_22 : vector<1000x128xf32>
    %get3A_24 = arith.constant 0 : index
    %get3A_25 = arith.constant 0 : index
    %get3A_26 = vector.load %arg4[%get3A_24, %get3A_25] : memref<1x128xf32, #tpu.memory_space<vmem>>, vector<1x128xf32>
    %add3A_27 = vector.broadcast %get3A_26 : vector<1x128xf32> to vector<1000x128xf32>
    %add3A_28 = arith.addf %mul3A_23, %add3A_27 : vector<1000x128xf32>
    %swap3A = arith.constant 0 : index
    %swap3A_29 = arith.constant 0 : index
    %swap3A_30 = vector.load %arg5[%swap3A, %swap3A_29] : memref<1000x128xf32, #tpu.memory_space<vmem>>, vector<1000x128xf32>
    tpu.vector_store %arg5[%swap3A, %swap3A_29], %add3A_28 {strides = array<i32>} : memref<1000x128xf32, #tpu.memory_space<vmem>>, vector<1000x128xf32>,
    return
  }
  func.func @transform_0(%arg0: i32) -> (i32, i32) {
    %c0_i32 = arith.constant 0 : i32
    %c0_i32_0 = arith.constant 0 : i32
    return %arg0, %c0_i32 : i32, i32
  }
  func.func @transform_1(%arg0: i32) -> (i32, i32) {
    %c0_i32 = arith.constant 0 : i32
    %c0_i32_0 = arith.constant 0 : i32
    %c0_i32_1 = arith.constant 0 : i32
    return %c0_i32, %c0_i32_0 : i32, i32
  }
  func.func @transform_2(%arg0: i32) -> (i32, i32) {
    %c0_i32 = arith.constant 0 : i32
    %c0_i32_0 = arith.constant 0 : i32
    %c0_i32_1 = arith.constant 0 : i32
    return %c0_i32, %c0_i32_0 : i32, i32
  }
  func.func @transform_3(%arg0: i32) -> (i32, i32) {
    %c0_i32 = arith.constant 0 : i32
    %c0_i32_0 = arith.constant 0 : i32
    %c0_i32_1 = arith.constant 0 : i32
    return %c0_i32, %c0_i32_0 : i32, i32
  }
  func.func @transform_4(%arg0: i32) -> (i32, i32) {
    %c0_i32 = arith.constant 0 : i32
    %c0_i32_0 = arith.constant 0 : i32
    return %arg0, %c0_i32 : i32, i32
  }
}

module attributes {stable_mosaic.version = 14 : i64} {
  func.func @_proj_body(%arg0: i32, %arg1: memref<1000x128xf32, #tpu.memory_space<vmem>>, %arg2: memref<8x128x128xf32, #tpu.memory_space<vmem>>, %arg3: memref<8x1000x128xf32, #tpu.memory_space<vmem>>) attributes {dimension_semantics = [#tpu.dimension_semantics<arbitrary>], iteration_bounds = array<i64: 10>, scalar_prefetch = 0 : i64, scratch_operands = 0 : i64, tpu.core_type = #tpu.core_type<tc>, window_params = [{transform_indices = @transform_0, window_bounds = array<i64: 1000, 128>}, {pipeline_mode = #tpu.pipeline_mode<synchronous>, transform_indices = @transform_1, window_bounds = array<i64: 8, 128, 128>}, {transform_indices = @transform_2, window_bounds = array<i64: 8, 1000, 128>}]} {
    %get3A = arith.constant 0 : index
    %get3A_0 = arith.constant 0 : index
    %get3A_1 = vector.load %arg1[%get3A, %get3A_0] : memref<1000x128xf32, #tpu.memory_space<vmem>>, vector<1000x128xf32>
    %get3A_2 = arith.constant 0 : index
    %get3A_3 = arith.constant 0 : index
    %get3A_4 = arith.constant 0 : index
    %get3A_5 = vector.load %arg2[%get3A_2, %get3A_3, %get3A_4] : memref<8x128x128xf32, #tpu.memory_space<vmem>>, vector<1x128x128xf32>
    %get3A_6 = vector.shape_cast %get3A_5 : vector<1x128x128xf32> to vector<128x128xf32>
    %dot_general3A = arith.constant dense<0.000000e+00> : vector<1000x128xf32>
    %dot_general3A_7 = tpu.matmul %get3A_1, %get3A_6, %dot_general3A {dimension_numbers = #tpu.dot_dimension_numbers<[1], [0], [0], [1], [0, 0, 1, 1], [], []>, transpose_lhs_hint = false} : vector<1000x128xf32>, vector<128x128xf32>, vector<1000x128xf32> -> vector<1000x128xf32>
    %swap3A = arith.constant 0 : index
    %swap3A_8 = arith.constant 0 : index
    %swap3A_9 = arith.constant 0 : index
    %swap3A_10 = vector.load %arg3[%swap3A, %swap3A_8, %swap3A_9] : memref<8x1000x128xf32, #tpu.memory_space<vmem>>, vector<1x1000x128xf32>
    %swap3A_11 = vector.shape_cast %swap3A_10 : vector<1x1000x128xf32> to vector<1000x128xf32>
    %swap3A_12 = vector.shape_cast %dot_general3A_7 : vector<1000x128xf32> to vector<1x1000x128xf32>
    tpu.vector_store %arg3[%swap3A, %swap3A_8, %swap3A_9], %swap3A_12 {strides = array<i32>} : memref<8x1000x128xf32, #tpu.memory_space<vmem>>, vector<1x1000x128xf32>,
    %get3A_13 = arith.constant 1 : index
    %get3A_14 = arith.constant 0 : index
    %get3A_15 = arith.constant 0 : index
    %get3A_16 = vector.load %arg2[%get3A_13, %get3A_14, %get3A_15] : memref<8x128x128xf32, #tpu.memory_space<vmem>>, vector<1x128x128xf32>
    %get3A_17 = vector.shape_cast %get3A_16 : vector<1x128x128xf32> to vector<128x128xf32>
    %dot_general3A_18 = arith.constant dense<0.000000e+00> : vector<1000x128xf32>
    %dot_general3A_19 = tpu.matmul %get3A_1, %get3A_17, %dot_general3A_18 {dimension_numbers = #tpu.dot_dimension_numbers<[1], [0], [0], [1], [0, 0, 1, 1], [], []>, transpose_lhs_hint = false} : vector<1000x128xf32>, vector<128x128xf32>, vector<1000x128xf32> -> vector<1000x128xf32>
    %swap3A_20 = arith.constant 1 : index
    %swap3A_21 = arith.constant 0 : index
    %swap3A_22 = arith.constant 0 : index
    %swap3A_23 = vector.load %arg3[%swap3A_20, %swap3A_21, %swap3A_22] : memref<8x1000x128xf32, #tpu.memory_space<vmem>>, vector<1x1000x128xf32>
    %swap3A_24 = vector.shape_cast %swap3A_23 : vector<1x1000x128xf32> to vector<1000x128xf32>
    %swap3A_25 = vector.shape_cast %dot_general3A_19 : vector<1000x128xf32> to vector<1x1000x128xf32>
    tpu.vector_store %arg3[%swap3A_20, %swap3A_21, %swap3A_22], %swap3A_25 {strides = array<i32>} : memref<8x1000x128xf32, #tpu.memory_space<vmem>>, vector<1x1000x128xf32>,
    %get3A_26 = arith.constant 2 : index
    %get3A_27 = arith.constant 0 : index
    %get3A_28 = arith.constant 0 : index
    %get3A_29 = vector.load %arg2[%get3A_26, %get3A_27, %get3A_28] : memref<8x128x128xf32, #tpu.memory_space<vmem>>, vector<1x128x128xf32>
    %get3A_30 = vector.shape_cast %get3A_29 : vector<1x128x128xf32> to vector<128x128xf32>
    %dot_general3A_31 = arith.constant dense<0.000000e+00> : vector<1000x128xf32>
    %dot_general3A_32 = tpu.matmul %get3A_1, %get3A_30, %dot_general3A_31 {dimension_numbers = #tpu.dot_dimension_numbers<[1], [0], [0], [1], [0, 0, 1, 1], [], []>, transpose_lhs_hint = false} : vector<1000x128xf32>, vector<128x128xf32>, vector<1000x128xf32> -> vector<1000x128xf32>
    %swap3A_33 = arith.constant 2 : index
    %swap3A_34 = arith.constant 0 : index
    %swap3A_35 = arith.constant 0 : index
    %swap3A_36 = vector.load %arg3[%swap3A_33, %swap3A_34, %swap3A_35] : memref<8x1000x128xf32, #tpu.memory_space<vmem>>, vector<1x1000x128xf32>
    %swap3A_37 = vector.shape_cast %swap3A_36 : vector<1x1000x128xf32> to vector<1000x128xf32>
    %swap3A_38 = vector.shape_cast %dot_general3A_32 : vector<1000x128xf32> to vector<1x1000x128xf32>
    tpu.vector_store %arg3[%swap3A_33, %swap3A_34, %swap3A_35], %swap3A_38 {strides = array<i32>} : memref<8x1000x128xf32, #tpu.memory_space<vmem>>, vector<1x1000x128xf32>,
    %get3A_39 = arith.constant 3 : index
    %get3A_40 = arith.constant 0 : index
    %get3A_41 = arith.constant 0 : index
    %get3A_42 = vector.load %arg2[%get3A_39, %get3A_40, %get3A_41] : memref<8x128x128xf32, #tpu.memory_space<vmem>>, vector<1x128x128xf32>
    %get3A_43 = vector.shape_cast %get3A_42 : vector<1x128x128xf32> to vector<128x128xf32>
    %dot_general3A_44 = arith.constant dense<0.000000e+00> : vector<1000x128xf32>
    %dot_general3A_45 = tpu.matmul %get3A_1, %get3A_43, %dot_general3A_44 {dimension_numbers = #tpu.dot_dimension_numbers<[1], [0], [0], [1], [0, 0, 1, 1], [], []>, transpose_lhs_hint = false} : vector<1000x128xf32>, vector<128x128xf32>, vector<1000x128xf32> -> vector<1000x128xf32>
    %swap3A_46 = arith.constant 3 : index
    %swap3A_47 = arith.constant 0 : index
    %swap3A_48 = arith.constant 0 : index
    %swap3A_49 = vector.load %arg3[%swap3A_46, %swap3A_47, %swap3A_48] : memref<8x1000x128xf32, #tpu.memory_space<vmem>>, vector<1x1000x128xf32>
    %swap3A_50 = vector.shape_cast %swap3A_49 : vector<1x1000x128xf32> to vector<1000x128xf32>
    %swap3A_51 = vector.shape_cast %dot_general3A_45 : vector<1000x128xf32> to vector<1x1000x128xf32>
    tpu.vector_store %arg3[%swap3A_46, %swap3A_47, %swap3A_48], %swap3A_51 {strides = array<i32>} : memref<8x1000x128xf32, #tpu.memory_space<vmem>>, vector<1x1000x128xf32>,
    %get3A_52 = arith.constant 4 : index
    %get3A_53 = arith.constant 0 : index
    %get3A_54 = arith.constant 0 : index
    %get3A_55 = vector.load %arg2[%get3A_52, %get3A_53, %get3A_54] : memref<8x128x128xf32, #tpu.memory_space<vmem>>, vector<1x128x128xf32>
    %get3A_56 = vector.shape_cast %get3A_55 : vector<1x128x128xf32> to vector<128x128xf32>
    %dot_general3A_57 = arith.constant dense<0.000000e+00> : vector<1000x128xf32>
    %dot_general3A_58 = tpu.matmul %get3A_1, %get3A_56, %dot_general3A_57 {dimension_numbers = #tpu.dot_dimension_numbers<[1], [0], [0], [1], [0, 0, 1, 1], [], []>, transpose_lhs_hint = false} : vector<1000x128xf32>, vector<128x128xf32>, vector<1000x128xf32> -> vector<1000x128xf32>
    %swap3A_59 = arith.constant 4 : index
    %swap3A_60 = arith.constant 0 : index
    %swap3A_61 = arith.constant 0 : index
    %swap3A_62 = vector.load %arg3[%swap3A_59, %swap3A_60, %swap3A_61] : memref<8x1000x128xf32, #tpu.memory_space<vmem>>, vector<1x1000x128xf32>
    %swap3A_63 = vector.shape_cast %swap3A_62 : vector<1x1000x128xf32> to vector<1000x128xf32>
    %swap3A_64 = vector.shape_cast %dot_general3A_58 : vector<1000x128xf32> to vector<1x1000x128xf32>
    tpu.vector_store %arg3[%swap3A_59, %swap3A_60, %swap3A_61], %swap3A_64 {strides = array<i32>} : memref<8x1000x128xf32, #tpu.memory_space<vmem>>, vector<1x1000x128xf32>,
    %get3A_65 = arith.constant 5 : index
    %get3A_66 = arith.constant 0 : index
    %get3A_67 = arith.constant 0 : index
    %get3A_68 = vector.load %arg2[%get3A_65, %get3A_66, %get3A_67] : memref<8x128x128xf32, #tpu.memory_space<vmem>>, vector<1x128x128xf32>
    %get3A_69 = vector.shape_cast %get3A_68 : vector<1x128x128xf32> to vector<128x128xf32>
    %dot_general3A_70 = arith.constant dense<0.000000e+00> : vector<1000x128xf32>
    %dot_general3A_71 = tpu.matmul %get3A_1, %get3A_69, %dot_general3A_70 {dimension_numbers = #tpu.dot_dimension_numbers<[1], [0], [0], [1], [0, 0, 1, 1], [], []>, transpose_lhs_hint = false} : vector<1000x128xf32>, vector<128x128xf32>, vector<1000x128xf32> -> vector<1000x128xf32>
    %swap3A_72 = arith.constant 5 : index
    %swap3A_73 = arith.constant 0 : index
    %swap3A_74 = arith.constant 0 : index
    %swap3A_75 = vector.load %arg3[%swap3A_72, %swap3A_73, %swap3A_74] : memref<8x1000x128xf32, #tpu.memory_space<vmem>>, vector<1x1000x128xf32>
    %swap3A_76 = vector.shape_cast %swap3A_75 : vector<1x1000x128xf32> to vector<1000x128xf32>
    %swap3A_77 = vector.shape_cast %dot_general3A_71 : vector<1000x128xf32> to vector<1x1000x128xf32>
    tpu.vector_store %arg3[%swap3A_72, %swap3A_73, %swap3A_74], %swap3A_77 {strides = array<i32>} : memref<8x1000x128xf32, #tpu.memory_space<vmem>>, vector<1x1000x128xf32>,
    %get3A_78 = arith.constant 6 : index
    %get3A_79 = arith.constant 0 : index
    %get3A_80 = arith.constant 0 : index
    %get3A_81 = vector.load %arg2[%get3A_78, %get3A_79, %get3A_80] : memref<8x128x128xf32, #tpu.memory_space<vmem>>, vector<1x128x128xf32>
    %get3A_82 = vector.shape_cast %get3A_81 : vector<1x128x128xf32> to vector<128x128xf32>
    %dot_general3A_83 = arith.constant dense<0.000000e+00> : vector<1000x128xf32>
    %dot_general3A_84 = tpu.matmul %get3A_1, %get3A_82, %dot_general3A_83 {dimension_numbers = #tpu.dot_dimension_numbers<[1], [0], [0], [1], [0, 0, 1, 1], [], []>, transpose_lhs_hint = false} : vector<1000x128xf32>, vector<128x128xf32>, vector<1000x128xf32> -> vector<1000x128xf32>
    %swap3A_85 = arith.constant 6 : index
    %swap3A_86 = arith.constant 0 : index
    %swap3A_87 = arith.constant 0 : index
    %swap3A_88 = vector.load %arg3[%swap3A_85, %swap3A_86, %swap3A_87] : memref<8x1000x128xf32, #tpu.memory_space<vmem>>, vector<1x1000x128xf32>
    %swap3A_89 = vector.shape_cast %swap3A_88 : vector<1x1000x128xf32> to vector<1000x128xf32>
    %swap3A_90 = vector.shape_cast %dot_general3A_84 : vector<1000x128xf32> to vector<1x1000x128xf32>
    tpu.vector_store %arg3[%swap3A_85, %swap3A_86, %swap3A_87], %swap3A_90 {strides = array<i32>} : memref<8x1000x128xf32, #tpu.memory_space<vmem>>, vector<1x1000x128xf32>,
    %get3A_91 = arith.constant 7 : index
    %get3A_92 = arith.constant 0 : index
    %get3A_93 = arith.constant 0 : index
    %get3A_94 = vector.load %arg2[%get3A_91, %get3A_92, %get3A_93] : memref<8x128x128xf32, #tpu.memory_space<vmem>>, vector<1x128x128xf32>
    %get3A_95 = vector.shape_cast %get3A_94 : vector<1x128x128xf32> to vector<128x128xf32>
    %dot_general3A_96 = arith.constant dense<0.000000e+00> : vector<1000x128xf32>
    %dot_general3A_97 = tpu.matmul %get3A_1, %get3A_95, %dot_general3A_96 {dimension_numbers = #tpu.dot_dimension_numbers<[1], [0], [0], [1], [0, 0, 1, 1], [], []>, transpose_lhs_hint = false} : vector<1000x128xf32>, vector<128x128xf32>, vector<1000x128xf32> -> vector<1000x128xf32>
    %swap3A_98 = arith.constant 7 : index
    %swap3A_99 = arith.constant 0 : index
    %swap3A_100 = arith.constant 0 : index
    %swap3A_101 = vector.load %arg3[%swap3A_98, %swap3A_99, %swap3A_100] : memref<8x1000x128xf32, #tpu.memory_space<vmem>>, vector<1x1000x128xf32>
    %swap3A_102 = vector.shape_cast %swap3A_101 : vector<1x1000x128xf32> to vector<1000x128xf32>
    %swap3A_103 = vector.shape_cast %dot_general3A_97 : vector<1000x128xf32> to vector<1x1000x128xf32>
    tpu.vector_store %arg3[%swap3A_98, %swap3A_99, %swap3A_100], %swap3A_103 {strides = array<i32>} : memref<8x1000x128xf32, #tpu.memory_space<vmem>>, vector<1x1000x128xf32>,
    return
  }
  func.func @transform_0(%arg0: i32) -> (i32, i32) {
    %c0_i32 = arith.constant 0 : i32
    %c0_i32_0 = arith.constant 0 : i32
    return %arg0, %c0_i32 : i32, i32
  }
  func.func @transform_1(%arg0: i32) -> (i32, i32, i32) {
    %c0_i32 = arith.constant 0 : i32
    %c0_i32_0 = arith.constant 0 : i32
    %c0_i32_1 = arith.constant 0 : i32
    %c0_i32_2 = arith.constant 0 : i32
    return %c0_i32, %c0_i32_0, %c0_i32_1 : i32, i32, i32
  }
  func.func @transform_2(%arg0: i32) -> (i32, i32, i32) {
    %c0_i32 = arith.constant 0 : i32
    %c0_i32_0 = arith.constant 0 : i32
    %c0_i32_1 = arith.constant 0 : i32
    return %c0_i32, %arg0, %c0_i32_0 : i32, i32, i32
  }
}

</mosaic_0001>

<sc_bundles>
// kernel: kernel.6.cloned.1.call-start
scs
__scs_entry_jumppad:
0x0: {  	(pc) =	sbr.rel $0x88, $3  }
0x1: {  	(tag) =	ssettag $0x0;
	lr =	simm.s32 $0x1  }
0x2: {  	[smem:$0x3F97] =	sst lr;
	_ =	strace $0xD0000000  }
0x3: {  	_ = 	snop  }
0x4: {  	_ = 	snop  }
0x5: {  	_ = 	snop  }
0x6: {  	_ = 	snop  }
0x7: {  	_ = 	snop  }
__scs_overlays_trampoline_lowered:
0x8: {  	[smem:$0x3FA6] =	sst s0  }
0x9: {  	[smem:$0x3FA7] =	sst s1  }
0xa: {  	[smem:$0x3FA8] =	sst s2  }
0xb: {  	[smem:$0x3FA9] =	sst s3  }
0xc: {  	[smem:$0x3FAA] =	sst s4  }
0xd: {  	[smem:$0x3FAB] =	sst s5  }
0xe: {  	[smem:$0x3FAC] =	sst s6  }
0xf: {  	[smem:$0x3FAD] =	sst s7  }
0x10: {  	[smem:$0x3FAE] =	sst s8  }
0x11: {  	[smem:$0x3FAF] =	sst s9;
	s0 =	simm.s32 @!p0 $0x0  }
0x12: {  	s1 =	sld [smem:$0x3F95];
	s0 =	simm.s32 @p0 $0x1  }
0x13: {  	[smem:$0x3FB0] =	sst s0;
	s0 =	simm.s32 @!p1 $0x0  }
0x14: {  	s2 =	sld [smem:$0x3F94];
	s0 =	simm.s32 @p1 $0x1  }
0x15: {  	[smem:$0x3FB1] =	sst s0;
	s0 =	simm.s32 @!p2 $0x0  }
0x16: {  	s3 =	sld [smem:$0x3FDB];
	s0 =	simm.s32 @p2 $0x1  }
0x17: {  	s4 =	simm.s32 $0x1BF5;
	[smem:$0x3FB3] =	sst s0  }
0x18: {  	s0 =	sld [smem:$0x3F96];
	_ =	swait.ge [sflag:s4], $0x0  }
0x19: {  	s7 =	sld [smem:$0x3F97]  }
0x1a: {  	s8 =	sadd.s32 $0xFFFFE003, lr  }
0x1b: {  	s9 =	sadd.s32 $0xFFFFFEF7, lr;
	s5 =	simm.s32 $0xFFFFFFFF;
	p2 =	slt.u32 s8, $0xFFFFF086  }
0x1c: {  	p1 =	slt.u32 s9, $0xF7A;
	s5 =	simm.s32 @!p2 $0x0  }
0x1d: {  	s5 =	simm.s32 @p1 $0x1;
	p0 =	seq.s32 s7, s2  }
0x1e: {  	s7 =	smul.u32 @!p0 $0xF7A, s2;
	p2 =	seq.s32 @!p0 s5, $0x0  }
0x1f: {  	s9 =	smul.u32 $0xF7A, s1;
	s8 =	simm.s32 @!p0 $0x1BF5;
	p2 =	por !p2, p0  }
0x20: {  	[sflag:s8] =	ssyncset.s32 @!p0 $0xFFFFF086;
	s6 =	sadd.s32 @!p0 s3, s7;
	s7 =	simm.s32 @!p0 $0x108  }
0x21: {  	s3 =	sadd.s32 s3, s9;
	s6 =	sadd.s32 @!p0 $0x88, s6;
	s7 =	simm.s32 @p2 $0x1082  }
0x22: {  	[simem:s7], [sflag:s8] =	dma.local @!p0 [hbm:s6], $0xF7A  }
0x23: {  	s9 =	sor.u32 $0xD0000000, s2;
	s6 =	simm.s32 $0x108;
	_ =	swait.ge @!p0 [sflag:s8], $0x0  }
0x24: {  	s3 =	sadd.s32 $0x88, s3;
	s6 =	simm.s32 @!p1 $0x1082;
	[sflag:s4] =	ssyncset.s32 $0xFFFFF086  }
0x25: {  	[simem:s6], [sflag:s4] =	dma.local [hbm:s3], $0xF7A  }
0x26: {  	[smem:$0x3F97] =	sst s1;
	(tag) =	ssettag s2;
	_ =	strace s9  }
0x27: {  	s1 =	sld [smem:$0x3FA7]  }
0x28: {  	s2 =	sld [smem:$0x3FA8]  }
0x29: {  	s4 =	sld [smem:$0x3FAA]  }
0x2a: {  	p0 =	seq.s32 s5, $0x0;
	s5 =	sld [smem:$0x3FAB]  }
0x2b: {  	s6 =	sld [smem:$0x3FAC]  }
0x2c: {  	s7 =	sld [smem:$0x3FAD]  }
0x2d: {  	s3 =	simm.s32 $0x108;
	s8 =	sld [smem:$0x3FAE]  }
0x2e: {  	s3 =	simm.s32 @!p0 $0x1082;
	s9 =	sld [smem:$0x3FAF]  }
0x2f: {  	lr =	sadd.s32 s0, s3;
	s0 =	sld [smem:$0x3FA6]  }
0x30: {  	s3 =	sld [smem:$0x3FA9]  }
0x31: {  	[smem:$0x3FB2] =	sst s10  }
0x32: {  	s10 =	sld [smem:$0x3FB0];
	_ =	sdelay $0x3  }
0x33: {  	p0 =	seq.s32 s10, $0x1;
	s10 =	sld [smem:$0x3FB2];
	_ =	sdelay $0x3  }
0x34: {  	[smem:$0x3FB2] =	sst s10  }
0x35: {  	s10 =	sld [smem:$0x3FB1];
	_ =	sdelay $0x3  }
0x36: {  	p1 =	seq.s32 s10, $0x1;
	s10 =	sld [smem:$0x3FB2];
	_ =	sdelay $0x3  }
0x37: {  	[smem:$0x3FB2] =	sst s10  }
0x38: {  	s10 =	sld [smem:$0x3FB3]  }
0x39: {  	_ = 	snop;
	(pc) =	sbr.ind lr, $3  }
0x3a: {  	_ = 	snop  }
0x3b: {  	_ = 	snop  }
0x3c: {  	p2 =	seq.s32 s10, $0x1;
	s10 =	sld [smem:$0x3FB2]  }
0x3d: {  	_ =	shalt  }
0x3e: {  	_ =	shalt  }
0x3f: {  	_ =	shalt  }
0x40: {  	_ =	shalt  }
0x41: {  	_ =	shalt  }
0x42: {  	_ =	shalt  }
0x43: {  	_ =	shalt  }
0x44: {  	_ =	shalt  }
0x45: {  	_ =	shalt  }
0x46: {  	_ =	shalt  }
0x47: {  	_ =	shalt  }
0x48: {  	_ =	shalt  }
0x49: {  	_ =	shalt  }
0x4a: {  	_ =	shalt  }
0x4b: {  	_ =	shalt  }
0x4c: {  	_ =	shalt  }
0x4d: {  	_ =	shalt  }
0x4e: {  	_ =	shalt  }
0x4f: {  	_ =	shalt  }
0x50: {  	_ =	shalt  }
0x51: {  	_ =	shalt  }
0x52: {  	_ =	shalt  }
0x53: {  	_ =	shalt  }
0x54: {  	_ =	shalt  }
0x55: {  	_ =	shalt  }
0x56: {  	_ =	shalt  }
0x57: {  	_ =	shalt  }
0x58: {  	_ =	shalt  }
0x59: {  	_ =	shalt  }
0x5a: {  	_ =	shalt  }
0x5b: {  	_ =	shalt  }
0x5c: {  	_ =	shalt  }
0x5d: {  	_ =	shalt  }
0x5e: {  	_ =	shalt  }
0x5f: {  	_ =	shalt  }
0x60: {  	_ =	shalt  }
0x61: {  	_ =	shalt  }
0x62: {  	_ =	shalt  }
0x63: {  	_ =	shalt  }
0x64: {  	_ =	shalt  }
0x65: {  	_ =	shalt  }
0x66: {  	_ =	shalt  }
0x67: {  	_ =	shalt  }
0x68: {  	_ =	shalt  }
0x69: {  	_ =	shalt  }
0x6a: {  	_ =	shalt  }
0x6b: {  	_ =	shalt  }
0x6c: {  	_ =	shalt  }
0x6d: {  	_ =	shalt  }
0x6e: {  	_ =	shalt  }
0x6f: {  	_ =	shalt  }
0x70: {  	_ =	shalt  }
0x71: {  	_ =	shalt  }
0x72: {  	_ =	shalt  }
0x73: {  	_ =	shalt  }
0x74: {  	_ =	shalt  }
0x75: {  	_ =	shalt  }
0x76: {  	_ =	shalt  }
0x77: {  	_ =	shalt  }
0x78: {  	_ =	shalt  }
0x79: {  	_ =	shalt  }
0x7a: {  	_ =	shalt  }
0x7b: {  	_ =	shalt  }
0x7c: {  	_ =	shalt  }
0x7d: {  	_ =	shalt  }
0x7e: {  	_ =	shalt  }
0x7f: {  	_ =	shalt  }
0x80: {  	_ =	shalt  }
0x81: {  	_ =	shalt  }
0x82: {  	_ =	shalt  }
0x83: {  	_ =	shalt  }
0x84: {  	_ =	shalt  }
0x85: {  	_ =	shalt  }
0x86: {  	_ =	shalt  }
0x87: {  	_ =	shalt  }
.Lfunc_end0:
.L_simem_size_0:
called_computation_lowered:
.L_overlay_start_0:
0x88: {  	s2 =	sld [smem:$0x3FD9]  }
0x89: {  	s3 =	sld [smem:$0x3FFE];
	_ =	sdelay $0x1  }
0x8a: {  	s1 =	srdreg.scid  }
0x8b: {  	s0 =	sand.u32 $0x1, s1  }
0x8c: {  	s17 =	sshll.u32 s0, $0xA;
	s2 =	sadd.s32 s3, s2  }
0x8d: {  	s2 =	sadd.s32 s2, s17  }
0x8e: {  	[smem:$0x3FBE] =	sst s2  }
0x8f: {  	_ = 	snop  }
0x90: {  	s2 =	sld [smem:$0x3FC7]  }
0x91: {  	s18 =	sld [smem:$0x3FD0];
	(tm) =	ssettm $0x1  }
0x92: {  	s4 =	sld [smem:$0x3FFB];
	_ =	sdelay $0x3  }
0x93: {  	_ =	strace s4  }
0x94: {  	s4 =	sld [smem:$0x3FFC];
	_ =	sdelay $0x3  }
0x95: {  	_ =	strace s4  }
0x96: {  	s4 =	sld [smem:$0x3FFD];
	_ =	sdelay $0x3  }
0x97: {  	_ =	strace s4  }
0x98: {  	_ =	strace $0x8FFFFFFF  }
0x99: {  	s19 =	sld [smem:$0x3FDB];
	_ =	sdelay $0x1  }
0x9a: {  	s5 =	simm.s32 $_scs_section_size  }
0x9b: {  	s6 =	simm.s32 $_size__tile_overlayer_lowered;
	s7 =	simm.s32 $_tile_overlayer_lowered  }
0x9c: {  	s22 =	simm.s32 $0x1BFF;
	s21 =	sshll.u32 s7, $0x1;
	s4 =	sadd.s32 s5, s19  }
0x9d: {  	s8 =	simm.s32 $0x0;
	s20 =	sshll.u32 s6, $0x1;
	s6 =	sadd.s32 s21, s4  }
0x9e: {  	[timem:s8], [sflag:s22] =	dma.local [hbm:s6], s20  }
0x9f: {  	_ =	swait.ge [sflag:s22], s20  }
0xa0: {  	s5 =	ssub.s32 $0x0, s20;
	[sflag:s22] =	ssyncset.done $0x0  }
0xa1: {  	[sflag:s22] =	ssyncadd.s32 s5;
	_ =	sdelay $0x1  }
0xa2: {  	s23 =	simm.s32 $0x1B8B  }
0xa3: {  	_ =	swait.ge [sflag:s23], $0x1  }
0xa4: {  	[sflag:s23] =	ssyncset.done $0x0  }
0xa5: {  	s25 =	simm.s32 $0x1B8E;
	s24 =	sld [smem:$0x3FFE];
	[sflag:s23] =	ssyncadd.s32 $0xFFFFFFFF  }
0xa6: {  	s26 =	simm.s32 $execute0_lowered;
	[smem:$0x3FD2] =	sst s25  }
0xa7: {  	s6 =	sshll.u32 s26, $0x1;
	_ =	strace $0x80000046;
	[dreg:$0x1] =	wrdreg $0xFFFFFFFF  }
0xa8: {  	s28 =	simm.s32 $_size_execute0_lowered;
	s4 =	sadd.s32 s4, s6;
	[dreg:$0x0] =	wrdreg $0x0  }
0xa9: {  	s6 =	sshll.u32 s28, $0x1;
	[dreg:$0x2] =	wrdreg s4  }
0xaa: {  	[dreg:$0x3] =	wrdreg s6  }
0xab: {  	[dreg:$0x4] =	wrdreg $0xC0  }
0xac: {  	_ =	task [dreg:s8], $0x5FFFF  }
0xad: {  	[dreg:$0x1] =	wrdreg $0xFFFFFFFF  }
0xae: {  	[dreg:$0x0] =	wrdreg $0x60  }
0xaf: {  	[dreg:$0x2] =	wrdreg s24  }
0xb0: {  	[dreg:$0x3] =	wrdreg s2  }
0xb1: {  	[dreg:$0x4] =	wrdreg s18  }
0xb2: {  	[dreg:$0x5] =	wrdreg $0x2B800  }
0xb3: {  	[dreg:$0x6] =	wrdreg $0x9  }
0xb4: {  	_ =	task.clear_ibuf [dreg:s8], $0x7FFFF;
	_ =	strace $0x90000046  }
0xb5: {  	s29 =	simm.s32 $0x9;
	_ =	strace $0x80000048  }
0xb6: {  	_ =	swait.ge [sflag:s29], $0x1  }
0xb7: {  	[sflag:s29] =	ssyncadd.s32 $0xFFFFFFFF  }
0xb8: {  	_ =	strace $0x90000048  }
0xb9: {  	_ =	sfence  }
0xba: {  	s30 =	sld [smem:$0x0];
	_ =	sdelay $0x2  }
0xbb: {  	s31 =	sshll.u32 s1, $0xD;
	s1 =	sshrl.u32 s1, $0x2  }
0xbc: {  	s3 =	sand.u32 $0x4000, s31;
	s1 =	sadd.s32 s1, s30  }
0xbd: {  	s0 =	sor.u32 s3, s0;
	s1 =	sshll.u32 s1, $0x11  }
0xbe: {  	s0 =	sor.u32 s1, s0  }
0xbf: {  	s0 =	sadd.s32 $0x8F2B, s0  }
0xc0: {  	[sflag:s0] =	ssyncadd.remote.s32 $0x1  }
0xc1: {  	_ =	sfence.sel $0xFFFF  }
0xc2: {  	[dreg:$0x0] =	wrdreg $0xFFFFFFFF;
	(pc) =	sbr.abs _section_cstart, $3  }
0xc3: {  	[dreg:$0x1] =	wrdreg $0xFFFFFFFF  }
0xc4: {  	_ =	task.clear_ibuf [dreg:s8], $0x2FFFF;
	_ =	strace $0x9FFFFFFF  }
0xc5: {  	(tm) =	ssettm $0x7FFFFFFF  }
tec
execute0_lowered:
.L_overlay_start_1:
0x0: {  	(tag) =	ssettag $0x1  }
0x1: {  	s0 =	rddreg [dreg:$0x0]  }
0x2: {  	s1 =	rddreg [dreg:$0x1]  }
0x3: {  	s2 =	rddreg [dreg:$0x2]  }
0x4: {  	s3 =	rddreg [dreg:$0x3];
	s4 =	srdreg.scid;
	s5 =	simm.s32 $0x0  }
0x5: {  	s13 =	stileid.u32;
	s28 =	simm.s32 $0x50;
	s29 =	simm.s32 $0x300  }
0x6: {  	s30 =	simm.s32 $0x380;
	s31 =	simm.s32 $0x1;
	s9 =	smul.u32 $0x13C00, s13  }
0x7: {  	s4 =	sand.u32 $0x1, s4;
	[smem:$0x7FF] =	sst s5;
	s21 =	smul.u32 $0x4F000, s13  }
0x8: {  	s7 =	sshll.u32 s13, $0x1;
	s6 =	sadd.s32 $0xAE00, s0;
	s11 =	smul.u32 $0x4E20, s13  }
0x9: {  	s20 =	sadd.s32 $0x143600, s0;
	s23 =	sshll.u32 s13, $0x6;
	s8 =	smul.u32 $0x13C000, s4  }
0xa: {  	_ =	strace $0x80000047;
	s10 =	sor.u32 s4, s7;
	s7 =	sadd.s32 $0x1000, s0  }
0xb: {  	[dreg:$0x5] =	wrdreg s20;
	s22 =	ssub.s32 $0x2, s4;
	s4 =	smul.u32 $0x2710, s4  }
0xc: {  	s20 =	simm.s32 $0x3;
	s10 =	smul.u32 $0x2710, s10;
	s12 =	sshrl.u32 s22, $0x1  }
0xd: {  	s8 =	sadd.s32 s9, s8;
	s9 =	sshrl.u32 s21, $0x2;
	s4 =	sadd.s32 s4, s11  }
0xe: {  	s21 =	simm.s32 $0x100;
	s8 =	sshrl.u32 s8, $0x3;
	s15 =	sadd.s32 s9, s3  }
0xf: {  	s9 =	sor.u32 $0x1C03, s23;
	s10 =	sshrl.u32 s10, $0x3;
	s14 =	sadd.s32 $0x50, s4  }
0x10: {  	s23 =	simm.s32 $0x2;
	s0 =	sadd.s32 s8, s0;
	s8 =	ssub.s32 s22, s12  }
0x11: {  	s24 =	sadd.s32 s7, s10;
	s25 =	sadd.s32 s1, s10;
	s12 =	sadd.s32 s2, s10  }
0x12: {  	s26 =	sshrl.u32 s14, $0x3;
	s19 =	sshrl.u32 s15, $0x3;
	[dreg:$0x6] =	wrdreg s24  }
0x13: {  	s22 =	simm.s32 $0x200;
	[dreg:$0x7] =	wrdreg s25;
	s13 =	sadd.s32 $0x145E00, s0  }
0x14: {  	s14 =	smax.u32 s8, $0x1;
	s8 =	sadd.s32 $0xA0, s4;
	s16 =	sadd.s32 s26, s2  }
0x15: {  	s17 =	sadd.s32 s26, s1;
	s18 =	sadd.s32 s26, s7;
	s24 =	simm.s32 $0x80  }
0x16: {  	s25 =	simm.s32 $0x180;
	s26 =	simm.s32 $0x280;
	s0 =	simm.s32 $0x0  }
.LBB2_1:
0x17: {  	s4 =	rddreg [dreg:$0x5]  }
0x18: {  	[spmem:s19], [sflag:s9] =	dma.local [hbm:s4], $0x2780  }
0x19: {  	_ =	swait.ge [sflag:s20], $0x2780  }
0x1a: {  	[sflag:s20] =	ssyncset.done $0x0  }
0x1b: {  	[sflag:s20] =	ssyncadd.s32 $0xFFFFD880  }
0x1c: {  	[bflag:$0x0] =	sbarrier.arrive $0xFFFF  }
0x1d: {  	s15 =	rddreg [dreg:$0x6]  }
0x1e: {  	[tilespmem:s5], [sflag:$0x2] =	stream.linear.gather [hbm4b:s15+s5], $0x50, $0x38;
	[tilespmem:$0x16780] =	vst v63  }
0x1f: {  	s10 =	rddreg [dreg:$0x7]  }
0x20: {  	[tilespmem:s21], [sflag:$0x2] =	stream.linear.gather [hbm4b:s10+s5], $0x50, $0x38;
	[tilespmem:$0x16780] =	vst v63  }
0x21: {  	_ = 	snop  }
0x22: {  	[tilespmem:s22], [sflag:$0x2] =	stream.linear.gather [hbm4b:s12+s5], $0x50, $0x38;
	[tilespmem:$0x16780] =	vst v63  }
0x23: {  	_ =	swait.ge [sflag:s23], $0x50  }
0x24: {  	[sflag:s23] =	ssyncset.done $0x0  }
0x25: {  	[sflag:s23] =	ssyncadd.s32 $0xFFFFFFB0  }
0x26: {  	_ =	swait.ge [sflag:s23], $0x50  }
0x27: {  	[sflag:s23] =	ssyncset.done $0x0  }
0x28: {  	[sflag:s23] =	ssyncadd.s32 $0xFFFFFFB0  }
0x29: {  	_ =	swait.ge [sflag:s23], $0x50  }
0x2a: {  	[sflag:s23] =	ssyncset.done $0x0  }
0x2b: {  	s11 =	sadd.s32 $0x0, s18;
	[sflag:s23] =	ssyncadd.s32 $0xFFFFFFB0  }
0x2c: {  	[tilespmem:s24], [sflag:$0x2] =	stream.linear.gather [hbm4b:s11+s5], $0x50, $0x38;
	[tilespmem:$0x16780] =	vst v63  }
0x2d: {  	s15 =	sadd.s32 $0x0, s17  }
0x2e: {  	[tilespmem:s25], [sflag:$0x2] =	stream.linear.gather [hbm4b:s15+s5], $0x50, $0x38;
	[tilespmem:$0x16780] =	vst v63  }
0x2f: {  	s10 =	sadd.s32 $0x0, s16  }
0x30: {  	[tilespmem:s26], [sflag:$0x2] =	stream.linear.gather [hbm4b:s10+s5], $0x50, $0x38;
	[tilespmem:$0x16780] =	vst v63  }
0x31: {  	v0 =	vld [tilespmem:$0x30]  }
0x32: {  	v1 =	vld [tilespmem:$0x10]  }
0x33: {  	v2 =	vld [tilespmem:$0x40]  }
0x34: {  	v3 =	vld [tilespmem:$0x140]  }
0x35: {  	v4 =	vld [tilespmem:$0x110]  }
0x36: {  	v5 =	vld [tilespmem:$0x130]  }
0x37: {  	v6 =	vld [tilespmem:$0x120]  }
0x38: {  	v7 =	vld [tilespmem:$0x100]  }
0x39: {  	v8 =	vld [tilespmem:$0x20];
	v3 =	vmul.u32 $0x2710, v3  }
0x3a: {  	v9 =	vld [tilespmem:$0x0];
	v4 =	vmul.u32 $0x2710, v4  }
0x3b: {  	v5 =	vmul.u32 $0x2710, v5;
	v2 =	vadd.s32 v2, v3  }
0x3c: {  	v60 =	vmul.u32 $0x2710, v6;
	v1 =	vadd.s32 v1, v4;
	[tilespmem:$0x340] =	vst v2  }
0x3d: {  	v61 =	vmul.u32 $0x2710, v7;
	v0 =	vadd.s32 v0, v5;
	[tilespmem:$0x310] =	vst v1  }
0x3e: {  	v62 =	vadd.s32 v8, v60;
	[tilespmem:$0x330] =	vst v0  }
0x3f: {  	v63 =	vadd.s32 v9, v61;
	[tilespmem:$0x320] =	vst v62  }
0x40: {  	[tilespmem:$0x300] =	vst v63  }
0x41: {  	[tilespmem:s30], [sflag:$0x1] =	stream.indirect.gather [hbm4b:s6+s28], $0x80, s29, s28, $0xb8;
	[tilespmem:$0x16780] =	vst v63  }
0x42: {  	_ =	swait.ge [sflag:s31], $0x2800  }
0x43: {  	[sflag:s31] =	ssyncset.done $0x0  }
0x44: {  	[sflag:s31] =	ssyncadd.s32 $0xFFFFD800  }
0x45: {  	[spmem:s3] =	stream.indirect.scatter.add.f32 [tilespmem:s30], [sflag:$0x3], $0x80, s22, s28, $0xb8;
	[tilespmem:$0x16780] =	vst v63  }
0x46: {  	_ =	swait.ge [sflag:s20], $0x2800  }
0x47: {  	[sflag:s20] =	ssyncset.done $0x0  }
0x48: {  	[sflag:s20] =	ssyncadd.s32 $0xFFFFD800  }
0x49: {  	_ =	swait.ge [sflag:s23], $0x50  }
0x4a: {  	[sflag:s23] =	ssyncset.done $0x0  }
0x4b: {  	[sflag:s23] =	ssyncadd.s32 $0xFFFFFFB0  }
0x4c: {  	_ =	swait.ge [sflag:s23], $0x50  }
0x4d: {  	[sflag:s23] =	ssyncset.done $0x0  }
0x4e: {  	[sflag:s23] =	ssyncadd.s32 $0xFFFFFFB0  }
0x4f: {  	_ =	swait.ge [sflag:s23], $0x50  }
0x50: {  	s11 =	sshrl.u32 s8, $0x3;
	[sflag:s23] =	ssyncset.done $0x0  }
0x51: {  	s10 =	sadd.s32 s7, s11;
	[sflag:s23] =	ssyncadd.s32 $0xFFFFFFB0  }
0x52: {  	[tilespmem:s5], [sflag:$0x2] =	stream.linear.gather [hbm4b:s10+s5], $0x50, $0x38;
	[tilespmem:$0x16780] =	vst v63  }
0x53: {  	s15 =	sadd.s32 s1, s11  }
0x54: {  	[tilespmem:s21], [sflag:$0x2] =	stream.linear.gather [hbm4b:s15+s5], $0x50, $0x38;
	[tilespmem:$0x16780] =	vst v63  }
0x55: {  	s4 =	sadd.s32 s2, s11  }
0x56: {  	[tilespmem:s22], [sflag:$0x2] =	stream.linear.gather [hbm4b:s4+s5], $0x50, $0x38;
	[tilespmem:$0x16780] =	vst v63  }
0x57: {  	s15 =	smov.u32 s8;
	s4 =	simm.s32 $0x14  }
.LBB2_2:
0x58: {  	p0 =	sne.s32 s4, $0x4C4  }
0x59: {  	v0 =	vld [tilespmem:$0xC0];
	s15 =	sadd.s32 $0xA0, s15;
	s10 =	smov.u32 s4;
	s4 =	sadd.s32 $0x14, s4  }
0x5a: {  	v1 =	vld [tilespmem:$0xB0]  }
0x5b: {  	v2 =	vld [tilespmem:$0xA0]  }
0x5c: {  	v3 =	vld [tilespmem:$0x1C0]  }
0x5d: {  	v4 =	vld [tilespmem:$0x1B0]  }
0x5e: {  	v5 =	vld [tilespmem:$0x1A0]  }
0x5f: {  	v6 =	vld [tilespmem:$0x190]  }
0x60: {  	v7 =	vld [tilespmem:$0x180]  }
0x61: {  	v8 =	vld [tilespmem:$0x90];
	v3 =	vmul.u32 $0x2710, v3  }
0x62: {  	v9 =	vld [tilespmem:$0x80];
	v4 =	vmul.u32 $0x2710, v4  }
0x63: {  	v5 =	vmul.u32 $0x2710, v5;
	v0 =	vadd.s32 v0, v3  }
0x64: {  	v3 =	vmul.u32 $0x2710, v6;
	v1 =	vadd.s32 v1, v4;
	[tilespmem:$0x340] =	vst v0  }
0x65: {  	v0 =	vmul.u32 $0x2710, v7;
	v2 =	vadd.s32 v2, v5;
	[tilespmem:$0x330] =	vst v1  }
0x66: {  	v1 =	vadd.s32 v8, v3;
	[tilespmem:$0x320] =	vst v2  }
0x67: {  	v0 =	vadd.s32 v9, v0;
	[tilespmem:$0x310] =	vst v1  }
0x68: {  	[tilespmem:$0x300] =	vst v0  }
0x69: {  	[tilespmem:s30], [sflag:$0x1] =	stream.indirect.gather [hbm4b:s6+s28], $0x80, s29, s28, $0xb8;
	[tilespmem:$0x16780] =	vst v63  }
0x6a: {  	_ =	swait.ge [sflag:s31], $0x2800  }
0x6b: {  	[sflag:s31] =	ssyncset.done $0x0  }
0x6c: {  	[sflag:s31] =	ssyncadd.s32 $0xFFFFD800  }
0x6d: {  	[spmem:s3] =	stream.indirect.scatter.add.f32 [tilespmem:s30], [sflag:$0x3], $0x80, s26, s28, $0xb8;
	[tilespmem:$0x16780] =	vst v63  }
0x6e: {  	_ =	swait.ge [sflag:s20], $0x2800  }
0x6f: {  	[sflag:s20] =	ssyncset.done $0x0  }
0x70: {  	[sflag:s20] =	ssyncadd.s32 $0xFFFFD800  }
0x71: {  	_ =	swait.ge [sflag:s23], $0x50  }
0x72: {  	[sflag:s23] =	ssyncset.done $0x0  }
0x73: {  	[sflag:s23] =	ssyncadd.s32 $0xFFFFFFB0  }
0x74: {  	_ =	swait.ge [sflag:s23], $0x50  }
0x75: {  	[sflag:s23] =	ssyncset.done $0x0  }
0x76: {  	[sflag:s23] =	ssyncadd.s32 $0xFFFFFFB0  }
0x77: {  	_ =	swait.ge [sflag:s23], $0x50  }
0x78: {  	[sflag:s23] =	ssyncset.done $0x0  }
0x79: {  	s11 =	sadd.s32 s10, s18;
	[sflag:s23] =	ssyncadd.s32 $0xFFFFFFB0  }
0x7a: {  	[tilespmem:s24], [sflag:$0x2] =	stream.linear.gather [hbm4b:s11+s5], $0x50, $0x38;
	[tilespmem:$0x16780] =	vst v63  }
0x7b: {  	s11 =	sadd.s32 s10, s17  }
0x7c: {  	[tilespmem:s25], [sflag:$0x2] =	stream.linear.gather [hbm4b:s11+s5], $0x50, $0x38;
	[tilespmem:$0x16780] =	vst v63  }
0x7d: {  	s10 =	sadd.s32 s10, s16  }
0x7e: {  	[tilespmem:s26], [sflag:$0x2] =	stream.linear.gather [hbm4b:s10+s5], $0x50, $0x38;
	[tilespmem:$0x16780] =	vst v63  }
0x7f: {  	v0 =	vld [tilespmem:$0x30]  }
0x80: {  	v1 =	vld [tilespmem:$0x10]  }
0x81: {  	v2 =	vld [tilespmem:$0x40]  }
0x82: {  	v3 =	vld [tilespmem:$0x140]  }
0x83: {  	v4 =	vld [tilespmem:$0x110]  }
0x84: {  	v5 =	vld [tilespmem:$0x130]  }
0x85: {  	v6 =	vld [tilespmem:$0x120]  }
0x86: {  	v7 =	vld [tilespmem:$0x100]  }
0x87: {  	v8 =	vld [tilespmem:$0x20];
	v3 =	vmul.u32 $0x2710, v3  }
0x88: {  	v9 =	vld [tilespmem:$0x0];
	v4 =	vmul.u32 $0x2710, v4  }
0x89: {  	v5 =	vmul.u32 $0x2710, v5;
	v2 =	vadd.s32 v2, v3  }
0x8a: {  	v1 =	vadd.s32 v1, v4;
	v3 =	vmul.u32 $0x2710, v6;
	[tilespmem:$0x340] =	vst v2  }
0x8b: {  	v2 =	vmul.u32 $0x2710, v7;
	[tilespmem:$0x310] =	vst v1;
	v0 =	vadd.s32 v0, v5  }
0x8c: {  	v1 =	vadd.s32 v8, v3;
	[tilespmem:$0x330] =	vst v0  }
0x8d: {  	v0 =	vadd.s32 v9, v2;
	[tilespmem:$0x320] =	vst v1  }
0x8e: {  	[tilespmem:$0x300] =	vst v0  }
0x8f: {  	[tilespmem:s30], [sflag:$0x1] =	stream.indirect.gather [hbm4b:s6+s28], $0x80, s29, s28, $0xb8;
	[tilespmem:$0x16780] =	vst v63  }
0x90: {  	_ =	swait.ge [sflag:s31], $0x2800  }
0x91: {  	[sflag:s31] =	ssyncset.done $0x0  }
0x92: {  	[sflag:s31] =	ssyncadd.s32 $0xFFFFD800  }
0x93: {  	[spmem:s3] =	stream.indirect.scatter.add.f32 [tilespmem:s30], [sflag:$0x3], $0x80, s22, s28, $0xb8;
	[tilespmem:$0x16780] =	vst v63  }
0x94: {  	_ =	swait.ge [sflag:s20], $0x2800  }
0x95: {  	[sflag:s20] =	ssyncset.done $0x0  }
0x96: {  	[sflag:s20] =	ssyncadd.s32 $0xFFFFD800  }
0x97: {  	_ =	swait.ge [sflag:s23], $0x50  }
0x98: {  	[sflag:s23] =	ssyncset.done $0x0  }
0x99: {  	[sflag:s23] =	ssyncadd.s32 $0xFFFFFFB0  }
0x9a: {  	_ =	swait.ge [sflag:s23], $0x50  }
0x9b: {  	[sflag:s23] =	ssyncset.done $0x0  }
0x9c: {  	[sflag:s23] =	ssyncadd.s32 $0xFFFFFFB0  }
0x9d: {  	_ =	swait.ge [sflag:s23], $0x50  }
0x9e: {  	s10 =	sshrl.u32 s15, $0x3;
	[sflag:s23] =	ssyncset.done $0x0  }
0x9f: {  	s11 =	sadd.s32 s7, s10;
	[sflag:s23] =	ssyncadd.s32 $0xFFFFFFB0  }
0xa0: {  	[tilespmem:s5], [sflag:$0x2] =	stream.linear.gather [hbm4b:s11+s5], $0x50, $0x38;
	[tilespmem:$0x16780] =	vst v63  }
.Ltmp0:
0xa1: {  	_ = 	snop;
	(pc) =	sbr.rel @p0 .LBB2_2-.Ltmp0, $4  }
0xa2: {  	s11 =	sadd.s32 s1, s10  }
0xa3: {  	[tilespmem:s21], [sflag:$0x2] =	stream.linear.gather [hbm4b:s11+s5], $0x50, $0x38;
	[tilespmem:$0x16780] =	vst v63  }
0xa4: {  	s10 =	sadd.s32 s2, s10  }
0xa5: {  	[tilespmem:s22], [sflag:$0x2] =	stream.linear.gather [hbm4b:s10+s5], $0x50, $0x38;
	[tilespmem:$0x16780] =	vst v63  }
0xa6: {  	v0 =	vld [tilespmem:$0xC0]  }
0xa7: {  	v1 =	vld [tilespmem:$0xB0]  }
0xa8: {  	v2 =	vld [tilespmem:$0xA0]  }
0xa9: {  	v3 =	vld [tilespmem:$0x1C0]  }
0xaa: {  	v4 =	vld [tilespmem:$0x1B0]  }
0xab: {  	v5 =	vld [tilespmem:$0x1A0]  }
0xac: {  	v6 =	vld [tilespmem:$0x190]  }
0xad: {  	v7 =	vld [tilespmem:$0x180]  }
0xae: {  	v8 =	vld [tilespmem:$0x90];
	v3 =	vmul.u32 $0x2710, v3  }
0xaf: {  	v9 =	vld [tilespmem:$0x80];
	v4 =	vmul.u32 $0x2710, v4  }
0xb0: {  	v5 =	vmul.u32 $0x2710, v5;
	v0 =	vadd.s32 v0, v3  }
0xb1: {  	v44 =	vmul.u32 $0x2710, v6;
	v1 =	vadd.s32 v1, v4;
	[tilespmem:$0x340] =	vst v0  }
0xb2: {  	v45 =	vmul.u32 $0x2710, v7;
	v2 =	vadd.s32 v2, v5;
	[tilespmem:$0x330] =	vst v1  }
0xb3: {  	v46 =	vadd.s32 v8, v44;
	[tilespmem:$0x320] =	vst v2  }
0xb4: {  	v0 =	vadd.s32 v9, v45;
	[tilespmem:$0x310] =	vst v46  }
0xb5: {  	[tilespmem:$0x300] =	vst v0  }
0xb6: {  	[tilespmem:s30], [sflag:$0x1] =	stream.indirect.gather [hbm4b:s6+s28], $0x80, s29, s28, $0xb8;
	[tilespmem:$0x16780] =	vst v63  }
0xb7: {  	_ =	swait.ge [sflag:s31], $0x2800  }
0xb8: {  	[sflag:s31] =	ssyncset.done $0x0  }
0xb9: {  	[sflag:s31] =	ssyncadd.s32 $0xFFFFD800  }
0xba: {  	[spmem:s3] =	stream.indirect.scatter.add.f32 [tilespmem:s30], [sflag:$0x3], $0x80, s26, s28, $0xb8;
	[tilespmem:$0x16780] =	vst v63  }
0xbb: {  	_ =	swait.ge [sflag:s20], $0x2800  }
0xbc: {  	[sflag:s20] =	ssyncset.done $0x0  }
0xbd: {  	[sflag:s20] =	ssyncadd.s32 $0xFFFFD800  }
0xbe: {  	_ =	swait.ge [sflag:s23], $0x50  }
0xbf: {  	[sflag:s23] =	ssyncset.done $0x0  }
0xc0: {  	[sflag:s23] =	ssyncadd.s32 $0xFFFFFFB0  }
0xc1: {  	_ =	swait.ge [sflag:s23], $0x50  }
0xc2: {  	[sflag:s23] =	ssyncset.done $0x0  }
0xc3: {  	[sflag:s23] =	ssyncadd.s32 $0xFFFFFFB0  }
0xc4: {  	_ =	swait.ge [sflag:s23], $0x50  }
0xc5: {  	[sflag:s23] =	ssyncset.done $0x0  }
0xc6: {  	[sflag:s23] =	ssyncadd.s32 $0xFFFFFFB0  }
0xc7: {  	v47 =	vld [tilespmem:$0x100]  }
0xc8: {  	v48 =	vld [tilespmem:$0x0]  }
0xc9: {  	v49 =	vld [tilespmem:$0x110]  }
0xca: {  	v50 =	vld [tilespmem:$0x10]  }
0xcb: {  	v51 =	vld [tilespmem:$0x120]  }
0xcc: {  	v52 =	vld [tilespmem:$0x20]  }
0xcd: {  	v53 =	vld [tilespmem:$0x130]  }
0xce: {  	v54 =	vld [tilespmem:$0x140]  }
0xcf: {  	v55 =	vld [tilespmem:$0x30];
	v0 =	vmul.u32 $0x2710, v47  }
0xd0: {  	v56 =	vld [tilespmem:$0x40];
	v2 =	vmul.u32 $0x2710, v49  }
0xd1: {  	v57 =	vmul.u32 $0x2710, v51;
	v0 =	vadd.s32 v48, v0  }
0xd2: {  	v59 =	vmul.u32 $0x2710, v53;
	v58 =	vadd.s32 v50, v2;
	[tilespmem:$0x300] =	vst v0  }
0xd3: {  	v61 =	vmul.u32 $0x2710, v54;
	v60 =	vadd.s32 v52, v57;
	[tilespmem:$0x310] =	vst v58  }
0xd4: {  	v62 =	vadd.s32 v55, v59;
	[tilespmem:$0x320] =	vst v60  }
0xd5: {  	v63 =	vadd.s32 v56, v61;
	[tilespmem:$0x330] =	vst v62  }
0xd6: {  	[tilespmem:$0x340] =	vst v63  }
0xd7: {  	[tilespmem:s30], [sflag:$0x1] =	stream.indirect.gather [hbm4b:s6+s28], $0x80, s29, s28, $0xb8;
	[tilespmem:$0x16780] =	vst v63  }
0xd8: {  	_ =	swait.ge [sflag:s31], $0x2800  }
0xd9: {  	[sflag:s31] =	ssyncset.done $0x0  }
0xda: {  	[sflag:s31] =	ssyncadd.s32 $0xFFFFD800  }
0xdb: {  	[spmem:s3] =	stream.indirect.scatter.add.f32 [tilespmem:s30], [sflag:$0x3], $0x80, s22, s28, $0xb8;
	[tilespmem:$0x16780] =	vst v63  }
0xdc: {  	_ =	swait.ge [sflag:s20], $0x2800  }
0xdd: {  	s0 =	sadd.s32 $0x1, s0;
	[sflag:s20] =	ssyncset.done $0x0  }
0xde: {  	p0 =	sne.s32 s0, s14;
	[sflag:s20] =	ssyncadd.s32 $0xFFFFD800  }
.Ltmp1:
0xdf: {  	[bflag:$0x0] =	sbarrier.arrive $0xFFFF;
	(pc) =	sbr.rel @p0 .LBB2_1-.Ltmp1, $4  }
0xe0: {  	[hbm:s13], [sflag:s9] =	dma.local [spmem:s19], $0x2780  }
0xe1: {  	_ =	swait.ge [sflag:s20], $0x2780  }
0xe2: {  	[sflag:s20] =	ssyncset.done $0x0  }
0xe3: {  	[sflag:s20] =	ssyncadd.s32 $0xFFFFD880  }
0xe4: {  	_ =	sfence.sel $0x180000  }
0xe5: {  	[bflag:$0x0] =	sbarrier.arrive $0xFFFF  }
0xe6: {  	_ =	strace $0x90000047  }
0xe7: {  	s0 =	stileid.u32;
	[bflag:$0x2] =	sbarrier.arrive $0xFFFF  }
0xe8: {  	p0 =	sne.s32 s0, $0x0;
	s0 =	rddreg [dreg:$0x4]  }
0xe9: {  	s0 =	sadd.s32 @!p0 $0x100000, s0  }
0xea: {  	[sflag:s0] =	ssyncadd.tile.s32 @!p0 $0x1;
	_ =	shalt  }
.Lfunc_end2:
_tile_overlayer_lowered:
.L_overlay_start_2:
0xeb: {  	(tag) =	ssettag $0x2  }
0xec: {  	s0 =	rddreg [dreg:$0x0];
	s2 =	stileid.u32  }
0xed: {  	s1 =	rddreg [dreg:$0x1];
	p0 =	sne.s32 s2, $0x0  }
0xee: {  	s3 =	rddreg [dreg:$0x2];
	[bflag:$0x3] =	sbarrier.arrive $0xFFFF;
	s2 =	simm.s32 @!p0 $0x1C03  }
0xef: {  	[timem:s3], [sflag:s2] =	dma.local @!p0 [hbm:s0], s1  }
0xf0: {  	s0 =	simm.s32 @!p0 $0x3  }
0xf1: {  	_ =	swait.ge @!p0 [sflag:s0], s1  }
0xf2: {  	s1 =	ssub.s32 @!p0 $0x0, s1;
	[sflag:s0] =	ssyncset.done @!p0 $0x0  }
0xf3: {  	[sflag:s0] =	ssyncadd.s32 @!p0 s1  }
0xf4: {  	[bflag:$0x3] =	sbarrier.arrive $0xFFFF  }
0xf5: {  	_ =	shalt  }

</sc_bundles>
